<compile_context>
chip_gen: v7x
topology: tpu7x:2x2x1
jax: 0.10.2.dev20260603
libtpu: 0.0.44.dev20260713+nightly
codegen_flags: <defaults>
</compile_context>

<pallas_src>
import jax
import jax.numpy as jnp
from jax import lax
from jax.experimental import pallas as pl
from jax.experimental.pallas import tpu as pltpu
from jax.experimental.pallas import tpu_sc as plsc

NC = 2
NS = 16
L = 16
NW = NC * NS
BS = 128
G = 8


def _body(ut, it, user_bias, item_bias, bias16, u_ids, i_ids,
          out_hbm, idx_u, idx_i, ue_buf, ie_buf, ub_buf, ib_buf,
          bias_v, out_v, sem):
    bpw = idx_u.shape[0] - L
    groups = bpw // G
    d = ut.shape[0]
    wid = lax.axis_index("s") * NC + lax.axis_index("c")
    base = wid * bpw

    pltpu.sync_copy(u_ids.at[pl.ds(base, bpw)], idx_u.at[pl.ds(0, bpw)])
    pltpu.sync_copy(i_ids.at[pl.ds(base, bpw)], idx_i.at[pl.ds(0, bpw)])
    pltpu.sync_copy(bias16, bias_v)
    zeros16 = jnp.zeros((L,), jnp.int32)
    idx_u[pl.ds(bpw, L)] = zeros16
    idx_i[pl.ds(bpw, L)] = zeros16
    cub = pltpu.async_copy(user_bias.at[idx_u], ub_buf, sem)
    cib = pltpu.async_copy(item_bias.at[idx_i], ib_buf, sem)
    cub.wait()
    cib.wait()

    b_vec = bias_v[...]
    lanes = lax.iota(jnp.int32, L)
    lane_in_g = lax.rem(lanes, jnp.int32(G))

    def group_bias_only(g, carry):
        acc = ub_buf[pl.ds(g * G, L)] + ib_buf[pl.ds(g * G, L)]
        out_v[pl.ds(g * G, L)] = acc + b_vec
        return carry

    def group(g, carry):
        rv_u = idx_u[pl.ds(g * G, L)]
        rv_i = idx_i[pl.ds(g * G, L)]
        handles = []
        for k in range(G):
            ru = pl.multiple_of((rv_u[k] // BS) * BS, BS)
            ri = pl.multiple_of((rv_i[k] // BS) * BS, BS)
            handles.append(pltpu.async_copy(
                ut.at[:, pl.ds(ru, BS)],
                ue_buf.at[:, pl.ds(k * BS, BS)], sem))
            handles.append(pltpu.async_copy(
                it.at[:, pl.ds(ri, BS)],
                ie_buf.at[:, pl.ds(k * BS, BS)], sem))
        for h in handles:
            h.wait()

        col_u = lane_in_g * BS + lax.rem(rv_u, BS)
        col_i = lane_in_g * BS + lax.rem(rv_i, BS)
        acc = ub_buf[pl.ds(g * G, L)] + ib_buf[pl.ds(g * G, L)]
        for c in range(d):
            cols = jnp.full((L,), c, jnp.int32)
            acc = acc + (plsc.load_gather(ue_buf, [cols, col_u])
                         * plsc.load_gather(ie_buf, [cols, col_i]))
        out_v[pl.ds(g * G, L)] = acc + b_vec
        return carry

    lax.fori_loop(0, groups, group, 0)
    pltpu.sync_copy(out_v.at[pl.ds(0, bpw)], out_hbm.at[pl.ds(base, bpw)])


def kernel(user_emb, item_emb, user_bias, item_bias, bias, u_ids, i_ids):
    batch = u_ids.shape[0]
    d = user_emb.shape[1]
    bpw = batch // NW
    bias16 = jnp.broadcast_to(bias.astype(jnp.float32), (L,))
    u = u_ids.astype(jnp.int32)
    i = i_ids.astype(jnp.int32)
    mesh = plsc.VectorSubcoreMesh(core_axis_name="c", subcore_axis_name="s",
                                  num_cores=NC, num_subcores=NS)
    k = pl.kernel(
        _body,
        out_type=jax.ShapeDtypeStruct((batch,), jnp.float32),
        mesh=mesh,
        scratch_types=[
            pltpu.VMEM((bpw + L,), jnp.int32),
            pltpu.VMEM((bpw + L,), jnp.int32),
            pltpu.VMEM((d, G * BS), jnp.float32),
            pltpu.VMEM((d, G * BS), jnp.float32),
            pltpu.VMEM((bpw + L,), jnp.float32),
            pltpu.VMEM((bpw + L,), jnp.float32),
            pltpu.VMEM((L,), jnp.float32),
            pltpu.VMEM((bpw + L,), jnp.float32),
            pltpu.SemaphoreType.DMA,
        ],
        compiler_params=pltpu.CompilerParams(needs_layout_passes=False),
    )
    score = k(user_emb.T, item_emb.T, user_bias.reshape(-1),
              item_bias.reshape(-1), bias16, u, i)
    return score.reshape(batch, 1)

# --- scband reference (transcript-rebuilt; emitter-appended) ---
"""Pipeline reference for scband-cofm-498216206602 (READ-ONLY COPY).

The authoritative reference and input builder live on the scoring server;
editing this copy changes nothing except your own understanding.
"""

import jax, jax.numpy as jnp
import numpy as np

USER_TOTAL = 1000000
ITEM_TOTAL = 1000000
EMBED_DIM = 32
BATCH = 16384


def setup_inputs(seed: int = 0) -> dict:
    key = jax.random.key(seed)
    k1, k2, k3, k4 = jax.random.split(key, 4)
    # GlorotNormal-ish init followed by global l2_normalize (tf.math.l2_normalize, axis=None)
    user_emb = jax.random.normal(k1, (USER_TOTAL, EMBED_DIM), dtype=jnp.float32) * 0.02
    user_emb = user_emb / jnp.sqrt(jnp.sum(user_emb ** 2))
    item_emb = jax.random.normal(k2, (ITEM_TOTAL, EMBED_DIM), dtype=jnp.float32) * 0.02
    item_emb = item_emb / jnp.sqrt(jnp.sum(item_emb ** 2))
    user_bias = jnp.zeros((USER_TOTAL, 1), dtype=jnp.float32)
    item_bias = jnp.zeros((ITEM_TOTAL, 1), dtype=jnp.float32)
    bias = jnp.zeros((1,), dtype=jnp.float32)
    u_ids = jax.random.randint(k3, (BATCH,), 0, USER_TOTAL, dtype=jnp.int64 if jax.config.jax_enable_x64 else jnp.int32)
    i_ids = jax.random.randint(k4, (BATCH,), 0, ITEM_TOTAL, dtype=jnp.int64 if jax.config.jax_enable_x64 else jnp.int32)
    return {
        "user_emb": user_emb,
        "item_emb": item_emb,
        "user_bias": user_bias,
        "item_bias": item_bias,
        "bias": bias,
        "u_ids": u_ids,
        "i_ids": i_ids,
    }


def reference(user_emb, item_emb, user_bias, item_bias, bias, u_ids, i_ids):
    # cofm.call with is_rec=True
    u_e = jnp.take(user_emb, u_ids, axis=0)          # [B, D]
    i_e = jnp.take(item_emb, i_ids, axis=0)          # [B, D]
    u_b = jnp.take(user_bias, u_ids, axis=0)         # [B, 1]
    i_b = jnp.take(item_bias, i_ids, axis=0)         # [B, 1]
    # tf: squeeze(matmul(expand(u_e, -2), expand(i_e, -1)), axis=-1) == rowwise dot, keepdims
    dot = jnp.sum(u_e * i_e, axis=-1, keepdims=True)  # [B, 1]
    score = bias + u_b + i_b + dot                    # [B, 1]
    return score

if __name__ == "__main__":
    import jax
    _d = setup_inputs()
    print(jax.jit(kernel)(*tuple(_d.values())))

</pallas_src>

<mosaic_0001>
#map = affine_map<(d0, d1) -> (0, 0)>
#map1 = affine_map<(d0, d1) -> (0)>
module attributes {stable_mosaic.version = 14 : i64} {
  func.func @_body(%arg0: i32, %arg1: i32, %arg2: memref<32x1000000xf32, #tpu.memory_space<hbm>>, %arg3: memref<32x1000000xf32, #tpu.memory_space<hbm>>, %arg4: memref<1000000xf32, #tpu.memory_space<hbm>>, %arg5: memref<1000000xf32, #tpu.memory_space<hbm>>, %arg6: memref<16xf32, #tpu.memory_space<hbm>>, %arg7: memref<16384xi32, #tpu.memory_space<hbm>>, %arg8: memref<16384xi32, #tpu.memory_space<hbm>>, %arg9: memref<16384xf32, #tpu.memory_space<hbm>>, %arg10: memref<528xi32, #tpu.memory_space<vmem>>, %arg11: memref<528xi32, #tpu.memory_space<vmem>>, %arg12: memref<32x1024xf32, #tpu.memory_space<vmem>>, %arg13: memref<32x1024xf32, #tpu.memory_space<vmem>>, %arg14: memref<528xf32, #tpu.memory_space<vmem>>, %arg15: memref<528xf32, #tpu.memory_space<vmem>>, %arg16: memref<16xf32, #tpu.memory_space<vmem>>, %arg17: memref<528xf32, #tpu.memory_space<vmem>>, %arg18: memref<!tpu.dma_semaphore, #tpu.memory_space<semaphore_mem>>) attributes {dimension_semantics = [#tpu.dimension_semantics<core_parallel>, #tpu.dimension_semantics<subcore_parallel>], iteration_bounds = array<i64: 2, 16>, scalar_prefetch = 0 : i64, scratch_operands = 9 : i64, tpu.core_type = #tpu.core_type<sc_vector_subcore>, window_params = [{transform_indices = #map}, {transform_indices = #map}, {transform_indices = #map1}, {transform_indices = #map1}, {transform_indices = #map1}, {transform_indices = #map1}, {transform_indices = #map1}, {transform_indices = #map1}]} {
    %mul3A = arith.constant 2 : i32
    %mul3A_0 = arith.muli %arg1, %mul3A : i32
    %add3A = arith.addi %mul3A_0, %arg0 : i32
    %mul3A_1 = arith.constant 512 : i32
    %mul3A_2 = arith.muli %add3A, %mul3A_1 : i32
    "tpu.region"() ({
      %run_scoped3A = tpu.sem_alloc : memref<!tpu.dma_semaphore, #tpu.memory_space<semaphore_mem>>
      %dma_start3A_21 = arith.constant 0 : i32
      %dma_start3A_22 = tpu.memref_slice %arg10[%dma_start3A_21] : memref<528xi32, #tpu.memory_space<vmem>> -> memref<512xi32, #tpu.memory_space<vmem>>
      %dma_start3A_23 = tpu.memref_slice %arg7[%mul3A_2] : memref<16384xi32, #tpu.memory_space<hbm>> -> memref<512xi32, #tpu.memory_space<hbm>>
      %dma_start3A_24 = arith.constant 0 : i32
      %dma_start3A_25 = tpu.memref_slice %arg10[%dma_start3A_24] : memref<528xi32, #tpu.memory_space<vmem>> -> memref<512xi32, #tpu.memory_space<vmem>>
      %dma_start3A_26 = tpu.memref_slice %arg7[%mul3A_2] : memref<16384xi32, #tpu.memory_space<hbm>> -> memref<512xi32, #tpu.memory_space<hbm>>
      tpu.enqueue_dma source(%dma_start3A_26 : memref<512xi32, #tpu.memory_space<hbm>>) target(%dma_start3A_25 : memref<512xi32, #tpu.memory_space<vmem>>) target_semaphore(%run_scoped3A : memref<!tpu.dma_semaphore, #tpu.memory_space<semaphore_mem>>)
      %dma_wait3A_27 = arith.constant 0 : i32
      %dma_wait3A_28 = tpu.memref_slice %arg10[%dma_wait3A_27] : memref<528xi32, #tpu.memory_space<vmem>> -> memref<512xi32, #tpu.memory_space<vmem>>
      %dma_wait3A_29 = tpu.memref_slice %arg7[%mul3A_2] : memref<16384xi32, #tpu.memory_space<hbm>> -> memref<512xi32, #tpu.memory_space<hbm>>
      %dma_wait3A_30 = arith.constant 0 : i32
      %dma_wait3A_31 = tpu.memref_slice %arg10[%dma_wait3A_30] : memref<528xi32, #tpu.memory_space<vmem>> -> memref<512xi32, #tpu.memory_space<vmem>>
      %dma_wait3A_32 = tpu.memref_slice %arg7[%mul3A_2] : memref<16384xi32, #tpu.memory_space<hbm>> -> memref<512xi32, #tpu.memory_space<hbm>>
      tpu.wait_dma2 semaphore(%run_scoped3A : memref<!tpu.dma_semaphore, #tpu.memory_space<semaphore_mem>>) src(%dma_wait3A_32 : memref<512xi32, #tpu.memory_space<hbm>>) dst(%dma_wait3A_31 : memref<512xi32, #tpu.memory_space<vmem>>)
      tpu.yield
    }) : () -> ()
    "tpu.region"() ({
      %run_scoped3A = tpu.sem_alloc : memref<!tpu.dma_semaphore, #tpu.memory_space<semaphore_mem>>
      %dma_start3A_21 = arith.constant 0 : i32
      %dma_start3A_22 = tpu.memref_slice %arg11[%dma_start3A_21] : memref<528xi32, #tpu.memory_space<vmem>> -> memref<512xi32, #tpu.memory_space<vmem>>
      %dma_start3A_23 = tpu.memref_slice %arg8[%mul3A_2] : memref<16384xi32, #tpu.memory_space<hbm>> -> memref<512xi32, #tpu.memory_space<hbm>>
      %dma_start3A_24 = arith.constant 0 : i32
      %dma_start3A_25 = tpu.memref_slice %arg11[%dma_start3A_24] : memref<528xi32, #tpu.memory_space<vmem>> -> memref<512xi32, #tpu.memory_space<vmem>>
      %dma_start3A_26 = tpu.memref_slice %arg8[%mul3A_2] : memref<16384xi32, #tpu.memory_space<hbm>> -> memref<512xi32, #tpu.memory_space<hbm>>
      tpu.enqueue_dma source(%dma_start3A_26 : memref<512xi32, #tpu.memory_space<hbm>>) target(%dma_start3A_25 : memref<512xi32, #tpu.memory_space<vmem>>) target_semaphore(%run_scoped3A : memref<!tpu.dma_semaphore, #tpu.memory_space<semaphore_mem>>)
      %dma_wait3A_27 = arith.constant 0 : i32
      %dma_wait3A_28 = tpu.memref_slice %arg11[%dma_wait3A_27] : memref<528xi32, #tpu.memory_space<vmem>> -> memref<512xi32, #tpu.memory_space<vmem>>
      %dma_wait3A_29 = tpu.memref_slice %arg8[%mul3A_2] : memref<16384xi32, #tpu.memory_space<hbm>> -> memref<512xi32, #tpu.memory_space<hbm>>
      %dma_wait3A_30 = arith.constant 0 : i32
      %dma_wait3A_31 = tpu.memref_slice %arg11[%dma_wait3A_30] : memref<528xi32, #tpu.memory_space<vmem>> -> memref<512xi32, #tpu.memory_space<vmem>>
      %dma_wait3A_32 = tpu.memref_slice %arg8[%mul3A_2] : memref<16384xi32, #tpu.memory_space<hbm>> -> memref<512xi32, #tpu.memory_space<hbm>>
      tpu.wait_dma2 semaphore(%run_scoped3A : memref<!tpu.dma_semaphore, #tpu.memory_space<semaphore_mem>>) src(%dma_wait3A_32 : memref<512xi32, #tpu.memory_space<hbm>>) dst(%dma_wait3A_31 : memref<512xi32, #tpu.memory_space<vmem>>)
      tpu.yield
    }) : () -> ()
    "tpu.region"() ({
      %run_scoped3A = tpu.sem_alloc : memref<!tpu.dma_semaphore, #tpu.memory_space<semaphore_mem>>
      tpu.enqueue_dma source(%arg6 : memref<16xf32, #tpu.memory_space<hbm>>) target(%arg16 : memref<16xf32, #tpu.memory_space<vmem>>) target_semaphore(%run_scoped3A : memref<!tpu.dma_semaphore, #tpu.memory_space<semaphore_mem>>)
      tpu.wait_dma2 semaphore(%run_scoped3A : memref<!tpu.dma_semaphore, #tpu.memory_space<semaphore_mem>>) src(%arg6 : memref<16xf32, #tpu.memory_space<hbm>>) dst(%arg16 : memref<16xf32, #tpu.memory_space<vmem>>)
      tpu.yield
    }) : () -> ()
    %broadcast_in_dim3A = arith.constant 0 : i32
    %broadcast_in_dim3A_3 = vector.broadcast %broadcast_in_dim3A : i32 to vector<16xi32>
    %swap3A = arith.constant 512 : index
    %swap3A_4 = tpu.vector_load %arg10[%swap3A] {strides = array<i32>} : memref<528xi32, #tpu.memory_space<vmem>>, vector<16xi32>,
    tpu.vector_store %arg10[%swap3A], %broadcast_in_dim3A_3 {strides = array<i32>} : memref<528xi32, #tpu.memory_space<vmem>>, vector<16xi32>,
    %swap3A_5 = arith.constant 512 : index
    %swap3A_6 = tpu.vector_load %arg11[%swap3A_5] {strides = array<i32>} : memref<528xi32, #tpu.memory_space<vmem>>, vector<16xi32>,
    tpu.vector_store %arg11[%swap3A_5], %broadcast_in_dim3A_3 {strides = array<i32>} : memref<528xi32, #tpu.memory_space<vmem>>, vector<16xi32>,
    %dma_start3A = arith.constant 0 : i32
    %dma_start3A_7 = tpu.memref_slice %arg4[%dma_start3A] : memref<1000000xf32, #tpu.memory_space<hbm>> -> memref<1000000xf32, #tpu.memory_space<hbm>>
    tpu.enqueue_indirect_dma source(%dma_start3A_7 : memref<1000000xf32, #tpu.memory_space<hbm>>) target(%arg14 : memref<528xf32, #tpu.memory_space<vmem>>) offsets(%arg10 : memref<528xi32, #tpu.memory_space<vmem>>) semaphore(%arg18 : memref<!tpu.dma_semaphore, #tpu.memory_space<semaphore_mem>>)
    %dma_start3A_8 = arith.constant 0 : i32
    %dma_start3A_9 = tpu.memref_slice %arg5[%dma_start3A_8] : memref<1000000xf32, #tpu.memory_space<hbm>> -> memref<1000000xf32, #tpu.memory_space<hbm>>
    tpu.enqueue_indirect_dma source(%dma_start3A_9 : memref<1000000xf32, #tpu.memory_space<hbm>>) target(%arg15 : memref<528xf32, #tpu.memory_space<vmem>>) offsets(%arg11 : memref<528xi32, #tpu.memory_space<vmem>>) semaphore(%arg18 : memref<!tpu.dma_semaphore, #tpu.memory_space<semaphore_mem>>)
    %dma_wait3A = arith.constant 0 : i32
    %dma_wait3A_10 = tpu.memref_slice %arg4[%dma_wait3A] : memref<1000000xf32, #tpu.memory_space<hbm>> -> memref<1000000xf32, #tpu.memory_space<hbm>>
    tpu.wait_indirect_dma semaphore(%arg18 : memref<!tpu.dma_semaphore, #tpu.memory_space<semaphore_mem>>) src(%dma_wait3A_10 : memref<1000000xf32, #tpu.memory_space<hbm>>) dst(%arg14 : memref<528xf32, #tpu.memory_space<vmem>>)
    %dma_wait3A_11 = arith.constant 0 : i32
    %dma_wait3A_12 = tpu.memref_slice %arg5[%dma_wait3A_11] : memref<1000000xf32, #tpu.memory_space<hbm>> -> memref<1000000xf32, #tpu.memory_space<hbm>>
    tpu.wait_indirect_dma semaphore(%arg18 : memref<!tpu.dma_semaphore, #tpu.memory_space<semaphore_mem>>) src(%dma_wait3A_12 : memref<1000000xf32, #tpu.memory_space<hbm>>) dst(%arg15 : memref<528xf32, #tpu.memory_space<vmem>>)
    %get3A = arith.constant 0 : index
    %get3A_13 = tpu.vector_load %arg16[%get3A] {strides = array<i32>} : memref<16xf32, #tpu.memory_space<vmem>>, vector<16xf32>,
    %iota3A = tpu.iota {dimensions = array<i32: 0>} : vector<16xi32>
    %rem3A = arith.constant 8 : i32
    %rem3A_14 = vector.broadcast %rem3A : i32 to vector<16xi32>
    %rem3A_15 = arith.remsi %iota3A, %rem3A_14 : vector<16xi32>
    %scan3A = arith.constant 0 : i32
    %scan3A_16 = arith.constant 0 : i32
    %scan3A_17 = arith.constant 64 : i32
    %scan3A_18 = arith.addi %scan3A_16, %scan3A_17 : i32
    %scan3A_19 = arith.constant 1 : i32
    scf.for %scan3A_21 = %scan3A_16 to %scan3A_18 step %scan3A_19  : i32 {
      %mul3A_22 = arith.constant 8 : i32
      %mul3A_23 = arith.muli %scan3A_21, %mul3A_22 : i32
      %get3A_24 = arith.index_cast %mul3A_23 : i32 to index
      %get3A_25 = tpu.vector_load %arg10[%get3A_24] {strides = array<i32>} : memref<528xi32, #tpu.memory_space<vmem>>, vector<16xi32>,
      %mul3A_26 = arith.constant 8 : i32
      %mul3A_27 = arith.muli %scan3A_21, %mul3A_26 : i32
      %get3A_28 = arith.index_cast %mul3A_27 : i32 to index
      %get3A_29 = tpu.vector_load %arg11[%get3A_28] {strides = array<i32>} : memref<528xi32, #tpu.memory_space<vmem>>, vector<16xi32>,
      %slice3A = vector.extract_strided_slice %get3A_25 {offsets = [0], sizes = [1], strides = [1]} : vector<16xi32> to vector<1xi32>
      %squeeze3A = vector.extract %slice3A[0] : i32 from vector<1xi32>
      %jit3A = arith.constant 128 : i32
      %div3A = arith.divsi %squeeze3A, %jit3A : i32
      %sign3A = arith.constant 0 : i32
      %sign3A_30 = arith.cmpi sgt, %squeeze3A, %sign3A : i32
      %sign3A_31 = arith.extui %sign3A_30 : i1 to i32
      %sign3A_32 = arith.constant 0 : i32
      %sign3A_33 = arith.cmpi slt, %squeeze3A, %sign3A_32 : i32
      %sign3A_34 = arith.extui %sign3A_33 : i1 to i32
      %sign3A_35 = arith.subi %sign3A_31, %sign3A_34 : i32
      %sign3A_36 = arith.constant 0 : i32
      %sign3A_37 = arith.cmpi sgt, %jit3A, %sign3A_36 : i32
      %sign3A_38 = arith.extui %sign3A_37 : i1 to i32
      %sign3A_39 = arith.constant 0 : i32
      %sign3A_40 = arith.cmpi slt, %jit3A, %sign3A_39 : i32
      %sign3A_41 = arith.extui %sign3A_40 : i1 to i32
      %sign3A_42 = arith.subi %sign3A_38, %sign3A_41 : i32
      %ne3A = arith.cmpi ne, %sign3A_35, %sign3A_42 : i32
      %rem3A_43 = arith.remsi %squeeze3A, %jit3A : i32
      %ne3A_44 = arith.constant 0 : i32
      %ne3A_45 = arith.cmpi ne, %rem3A_43, %ne3A_44 : i32
      %and3A = arith.andi %ne3A, %ne3A_45 : i1
      %sub3A = arith.constant 1 : i32
      %sub3A_46 = arith.subi %div3A, %sub3A : i32
      %select_n3A = arith.select %and3A, %sub3A_46, %div3A : i32
      %mul3A_47 = arith.constant 128 : i32
      %mul3A_48 = arith.muli %select_n3A, %mul3A_47 : i32
      %multiple_of3A = tpu.assume_multiple %mul3A_48, 128 : i32
      %slice3A_49 = vector.extract_strided_slice %get3A_29 {offsets = [0], sizes = [1], strides = [1]} : vector<16xi32> to vector<1xi32>
      %squeeze3A_50 = vector.extract %slice3A_49[0] : i32 from vector<1xi32>
      %jit3A_51 = arith.constant 128 : i32
      %div3A_52 = arith.divsi %squeeze3A_50, %jit3A_51 : i32
      %sign3A_53 = arith.constant 0 : i32
      %sign3A_54 = arith.cmpi sgt, %squeeze3A_50, %sign3A_53 : i32
      %sign3A_55 = arith.extui %sign3A_54 : i1 to i32
      %sign3A_56 = arith.constant 0 : i32
      %sign3A_57 = arith.cmpi slt, %squeeze3A_50, %sign3A_56 : i32
      %sign3A_58 = arith.extui %sign3A_57 : i1 to i32
      %sign3A_59 = arith.subi %sign3A_55, %sign3A_58 : i32
      %sign3A_60 = arith.constant 0 : i32
      %sign3A_61 = arith.cmpi sgt, %jit3A_51, %sign3A_60 : i32
      %sign3A_62 = arith.extui %sign3A_61 : i1 to i32
      %sign3A_63 = arith.constant 0 : i32
      %sign3A_64 = arith.cmpi slt, %jit3A_51, %sign3A_63 : i32
      %sign3A_65 = arith.extui %sign3A_64 : i1 to i32
      %sign3A_66 = arith.subi %sign3A_62, %sign3A_65 : i32
      %ne3A_67 = arith.cmpi ne, %sign3A_59, %sign3A_66 : i32
      %rem3A_68 = arith.remsi %squeeze3A_50, %jit3A_51 : i32
      %ne3A_69 = arith.constant 0 : i32
      %ne3A_70 = arith.cmpi ne, %rem3A_68, %ne3A_69 : i32
      %and3A_71 = arith.andi %ne3A_67, %ne3A_70 : i1
      %sub3A_72 = arith.constant 1 : i32
      %sub3A_73 = arith.subi %div3A_52, %sub3A_72 : i32
      %select_n3A_74 = arith.select %and3A_71, %sub3A_73, %div3A_52 : i32
      %mul3A_75 = arith.constant 128 : i32
      %mul3A_76 = arith.muli %select_n3A_74, %mul3A_75 : i32
      %multiple_of3A_77 = tpu.assume_multiple %mul3A_76, 128 : i32
      %dma_start3A_78 = arith.constant 0 : i32
      %dma_start3A_79 = arith.constant 0 : i32
      %dma_start3A_80 = tpu.memref_slice %arg12[%dma_start3A_78, %dma_start3A_79] : memref<32x1024xf32, #tpu.memory_space<vmem>> -> memref<32x128xf32, #tpu.memory_space<vmem>>
      %dma_start3A_81 = arith.constant 0 : i32
      %dma_start3A_82 = tpu.memref_slice %arg2[%dma_start3A_81, %multiple_of3A] : memref<32x1000000xf32, #tpu.memory_space<hbm>> -> memref<32x128xf32, #tpu.memory_space<hbm>>
      %dma_start3A_83 = arith.constant 0 : i32
      %dma_start3A_84 = arith.constant 0 : i32
      %dma_start3A_85 = tpu.memref_slice %arg12[%dma_start3A_83, %dma_start3A_84] : memref<32x1024xf32, #tpu.memory_space<vmem>> -> memref<32x128xf32, #tpu.memory_space<vmem>>
      %dma_start3A_86 = arith.constant 0 : i32
      %dma_start3A_87 = tpu.memref_slice %arg2[%dma_start3A_86, %multiple_of3A] : memref<32x1000000xf32, #tpu.memory_space<hbm>> -> memref<32x128xf32, #tpu.memory_space<hbm>>
      tpu.enqueue_dma source(%dma_start3A_87 : memref<32x128xf32, #tpu.memory_space<hbm>>) target(%dma_start3A_85 : memref<32x128xf32, #tpu.memory_space<vmem>>) target_semaphore(%arg18 : memref<!tpu.dma_semaphore, #tpu.memory_space<semaphore_mem>>)
      %dma_start3A_88 = arith.constant 0 : i32
      %dma_start3A_89 = arith.constant 0 : i32
      %dma_start3A_90 = tpu.memref_slice %arg13[%dma_start3A_88, %dma_start3A_89] : memref<32x1024xf32, #tpu.memory_space<vmem>> -> memref<32x128xf32, #tpu.memory_space<vmem>>
      %dma_start3A_91 = arith.constant 0 : i32
      %dma_start3A_92 = tpu.memref_slice %arg3[%dma_start3A_91, %multiple_of3A_77] : memref<32x1000000xf32, #tpu.memory_space<hbm>> -> memref<32x128xf32, #tpu.memory_space<hbm>>
      %dma_start3A_93 = arith.constant 0 : i32
      %dma_start3A_94 = arith.constant 0 : i32
      %dma_start3A_95 = tpu.memref_slice %arg13[%dma_start3A_93, %dma_start3A_94] : memref<32x1024xf32, #tpu.memory_space<vmem>> -> memref<32x128xf32, #tpu.memory_space<vmem>>
      %dma_start3A_96 = arith.constant 0 : i32
      %dma_start3A_97 = tpu.memref_slice %arg3[%dma_start3A_96, %multiple_of3A_77] : memref<32x1000000xf32, #tpu.memory_space<hbm>> -> memref<32x128xf32, #tpu.memory_space<hbm>>
      tpu.enqueue_dma source(%dma_start3A_97 : memref<32x128xf32, #tpu.memory_space<hbm>>) target(%dma_start3A_95 : memref<32x128xf32, #tpu.memory_space<vmem>>) target_semaphore(%arg18 : memref<!tpu.dma_semaphore, #tpu.memory_space<semaphore_mem>>)
      %slice3A_98 = vector.extract_strided_slice %get3A_25 {offsets = [1], sizes = [1], strides = [1]} : vector<16xi32> to vector<1xi32>
      %squeeze3A_99 = vector.extract %slice3A_98[0] : i32 from vector<1xi32>
      %jit3A_100 = arith.constant 128 : i32
      %div3A_101 = arith.divsi %squeeze3A_99, %jit3A_100 : i32
      %sign3A_102 = arith.constant 0 : i32
      %sign3A_103 = arith.cmpi sgt, %squeeze3A_99, %sign3A_102 : i32
      %sign3A_104 = arith.extui %sign3A_103 : i1 to i32
      %sign3A_105 = arith.constant 0 : i32
      %sign3A_106 = arith.cmpi slt, %squeeze3A_99, %sign3A_105 : i32
      %sign3A_107 = arith.extui %sign3A_106 : i1 to i32
      %sign3A_108 = arith.subi %sign3A_104, %sign3A_107 : i32
      %sign3A_109 = arith.constant 0 : i32
      %sign3A_110 = arith.cmpi sgt, %jit3A_100, %sign3A_109 : i32
      %sign3A_111 = arith.extui %sign3A_110 : i1 to i32
      %sign3A_112 = arith.constant 0 : i32
      %sign3A_113 = arith.cmpi slt, %jit3A_100, %sign3A_112 : i32
      %sign3A_114 = arith.extui %sign3A_113 : i1 to i32
      %sign3A_115 = arith.subi %sign3A_111, %sign3A_114 : i32
      %ne3A_116 = arith.cmpi ne, %sign3A_108, %sign3A_115 : i32
      %rem3A_117 = arith.remsi %squeeze3A_99, %jit3A_100 : i32
      %ne3A_118 = arith.constant 0 : i32
      %ne3A_119 = arith.cmpi ne, %rem3A_117, %ne3A_118 : i32
      %and3A_120 = arith.andi %ne3A_116, %ne3A_119 : i1
      %sub3A_121 = arith.constant 1 : i32
      %sub3A_122 = arith.subi %div3A_101, %sub3A_121 : i32
      %select_n3A_123 = arith.select %and3A_120, %sub3A_122, %div3A_101 : i32
      %mul3A_124 = arith.constant 128 : i32
      %mul3A_125 = arith.muli %select_n3A_123, %mul3A_124 : i32
      %multiple_of3A_126 = tpu.assume_multiple %mul3A_125, 128 : i32
      %slice3A_127 = vector.extract_strided_slice %get3A_29 {offsets = [1], sizes = [1], strides = [1]} : vector<16xi32> to vector<1xi32>
      %squeeze3A_128 = vector.extract %slice3A_127[0] : i32 from vector<1xi32>
      %jit3A_129 = arith.constant 128 : i32
      %div3A_130 = arith.divsi %squeeze3A_128, %jit3A_129 : i32
      %sign3A_131 = arith.constant 0 : i32
      %sign3A_132 = arith.cmpi sgt, %squeeze3A_128, %sign3A_131 : i32
      %sign3A_133 = arith.extui %sign3A_132 : i1 to i32
      %sign3A_134 = arith.constant 0 : i32
      %sign3A_135 = arith.cmpi slt, %squeeze3A_128, %sign3A_134 : i32
      %sign3A_136 = arith.extui %sign3A_135 : i1 to i32
      %sign3A_137 = arith.subi %sign3A_133, %sign3A_136 : i32
      %sign3A_138 = arith.constant 0 : i32
      %sign3A_139 = arith.cmpi sgt, %jit3A_129, %sign3A_138 : i32
      %sign3A_140 = arith.extui %sign3A_139 : i1 to i32
      %sign3A_141 = arith.constant 0 : i32
      %sign3A_142 = arith.cmpi slt, %jit3A_129, %sign3A_141 : i32
      %sign3A_143 = arith.extui %sign3A_142 : i1 to i32
      %sign3A_144 = arith.subi %sign3A_140, %sign3A_143 : i32
      %ne3A_145 = arith.cmpi ne, %sign3A_137, %sign3A_144 : i32
      %rem3A_146 = arith.remsi %squeeze3A_128, %jit3A_129 : i32
      %ne3A_147 = arith.constant 0 : i32
      %ne3A_148 = arith.cmpi ne, %rem3A_146, %ne3A_147 : i32
      %and3A_149 = arith.andi %ne3A_145, %ne3A_148 : i1
      %sub3A_150 = arith.constant 1 : i32
      %sub3A_151 = arith.subi %div3A_130, %sub3A_150 : i32
      %select_n3A_152 = arith.select %and3A_149, %sub3A_151, %div3A_130 : i32
      %mul3A_153 = arith.constant 128 : i32
      %mul3A_154 = arith.muli %select_n3A_152, %mul3A_153 : i32
      %multiple_of3A_155 = tpu.assume_multiple %mul3A_154, 128 : i32
      %dma_start3A_156 = arith.constant 0 : i32
      %dma_start3A_157 = arith.constant 128 : i32
      %dma_start3A_158 = tpu.memref_slice %arg12[%dma_start3A_156, %dma_start3A_157] : memref<32x1024xf32, #tpu.memory_space<vmem>> -> memref<32x128xf32, #tpu.memory_space<vmem>>
      %dma_start3A_159 = arith.constant 0 : i32
      %dma_start3A_160 = tpu.memref_slice %arg2[%dma_start3A_159, %multiple_of3A_126] : memref<32x1000000xf32, #tpu.memory_space<hbm>> -> memref<32x128xf32, #tpu.memory_space<hbm>>
      %dma_start3A_161 = arith.constant 0 : i32
      %dma_start3A_162 = arith.constant 128 : i32
      %dma_start3A_163 = tpu.memref_slice %arg12[%dma_start3A_161, %dma_start3A_162] : memref<32x1024xf32, #tpu.memory_space<vmem>> -> memref<32x128xf32, #tpu.memory_space<vmem>>
      %dma_start3A_164 = arith.constant 0 : i32
      %dma_start3A_165 = tpu.memref_slice %arg2[%dma_start3A_164, %multiple_of3A_126] : memref<32x1000000xf32, #tpu.memory_space<hbm>> -> memref<32x128xf32, #tpu.memory_space<hbm>>
      tpu.enqueue_dma source(%dma_start3A_165 : memref<32x128xf32, #tpu.memory_space<hbm>>) target(%dma_start3A_163 : memref<32x128xf32, #tpu.memory_space<vmem>>) target_semaphore(%arg18 : memref<!tpu.dma_semaphore, #tpu.memory_space<semaphore_mem>>)
      %dma_start3A_166 = arith.constant 0 : i32
      %dma_start3A_167 = arith.constant 128 : i32
      %dma_start3A_168 = tpu.memref_slice %arg13[%dma_start3A_166, %dma_start3A_167] : memref<32x1024xf32, #tpu.memory_space<vmem>> -> memref<32x128xf32, #tpu.memory_space<vmem>>
      %dma_start3A_169 = arith.constant 0 : i32
      %dma_start3A_170 = tpu.memref_slice %arg3[%dma_start3A_169, %multiple_of3A_155] : memref<32x1000000xf32, #tpu.memory_space<hbm>> -> memref<32x128xf32, #tpu.memory_space<hbm>>
      %dma_start3A_171 = arith.constant 0 : i32
      %dma_start3A_172 = arith.constant 128 : i32
      %dma_start3A_173 = tpu.memref_slice %arg13[%dma_start3A_171, %dma_start3A_172] : memref<32x1024xf32, #tpu.memory_space<vmem>> -> memref<32x128xf32, #tpu.memory_space<vmem>>
      %dma_start3A_174 = arith.constant 0 : i32
      %dma_start3A_175 = tpu.memref_slice %arg3[%dma_start3A_174, %multiple_of3A_155] : memref<32x1000000xf32, #tpu.memory_space<hbm>> -> memref<32x128xf32, #tpu.memory_space<hbm>>
      tpu.enqueue_dma source(%dma_start3A_175 : memref<32x128xf32, #tpu.memory_space<hbm>>) target(%dma_start3A_173 : memref<32x128xf32, #tpu.memory_space<vmem>>) target_semaphore(%arg18 : memref<!tpu.dma_semaphore, #tpu.memory_space<semaphore_mem>>)
      %slice3A_176 = vector.extract_strided_slice %get3A_25 {offsets = [2], sizes = [1], strides = [1]} : vector<16xi32> to vector<1xi32>
      %squeeze3A_177 = vector.extract %slice3A_176[0] : i32 from vector<1xi32>
      %jit3A_178 = arith.constant 128 : i32
      %div3A_179 = arith.divsi %squeeze3A_177, %jit3A_178 : i32
      %sign3A_180 = arith.constant 0 : i32
      %sign3A_181 = arith.cmpi sgt, %squeeze3A_177, %sign3A_180 : i32
      %sign3A_182 = arith.extui %sign3A_181 : i1 to i32
      %sign3A_183 = arith.constant 0 : i32
      %sign3A_184 = arith.cmpi slt, %squeeze3A_177, %sign3A_183 : i32
      %sign3A_185 = arith.extui %sign3A_184 : i1 to i32
      %sign3A_186 = arith.subi %sign3A_182, %sign3A_185 : i32
      %sign3A_187 = arith.constant 0 : i32
      %sign3A_188 = arith.cmpi sgt, %jit3A_178, %sign3A_187 : i32
      %sign3A_189 = arith.extui %sign3A_188 : i1 to i32
      %sign3A_190 = arith.constant 0 : i32
      %sign3A_191 = arith.cmpi slt, %jit3A_178, %sign3A_190 : i32
      %sign3A_192 = arith.extui %sign3A_191 : i1 to i32
      %sign3A_193 = arith.subi %sign3A_189, %sign3A_192 : i32
      %ne3A_194 = arith.cmpi ne, %sign3A_186, %sign3A_193 : i32
      %rem3A_195 = arith.remsi %squeeze3A_177, %jit3A_178 : i32
      %ne3A_196 = arith.constant 0 : i32
      %ne3A_197 = arith.cmpi ne, %rem3A_195, %ne3A_196 : i32
      %and3A_198 = arith.andi %ne3A_194, %ne3A_197 : i1
      %sub3A_199 = arith.constant 1 : i32
      %sub3A_200 = arith.subi %div3A_179, %sub3A_199 : i32
      %select_n3A_201 = arith.select %and3A_198, %sub3A_200, %div3A_179 : i32
      %mul3A_202 = arith.constant 128 : i32
      %mul3A_203 = arith.muli %select_n3A_201, %mul3A_202 : i32
      %multiple_of3A_204 = tpu.assume_multiple %mul3A_203, 128 : i32
      %slice3A_205 = vector.extract_strided_slice %get3A_29 {offsets = [2], sizes = [1], strides = [1]} : vector<16xi32> to vector<1xi32>
      %squeeze3A_206 = vector.extract %slice3A_205[0] : i32 from vector<1xi32>
      %jit3A_207 = arith.constant 128 : i32
      %div3A_208 = arith.divsi %squeeze3A_206, %jit3A_207 : i32
      %sign3A_209 = arith.constant 0 : i32
      %sign3A_210 = arith.cmpi sgt, %squeeze3A_206, %sign3A_209 : i32
      %sign3A_211 = arith.extui %sign3A_210 : i1 to i32
      %sign3A_212 = arith.constant 0 : i32
      %sign3A_213 = arith.cmpi slt, %squeeze3A_206, %sign3A_212 : i32
      %sign3A_214 = arith.extui %sign3A_213 : i1 to i32
      %sign3A_215 = arith.subi %sign3A_211, %sign3A_214 : i32
      %sign3A_216 = arith.constant 0 : i32
      %sign3A_217 = arith.cmpi sgt, %jit3A_207, %sign3A_216 : i32
      %sign3A_218 = arith.extui %sign3A_217 : i1 to i32
      %sign3A_219 = arith.constant 0 : i32
      %sign3A_220 = arith.cmpi slt, %jit3A_207, %sign3A_219 : i32
      %sign3A_221 = arith.extui %sign3A_220 : i1 to i32
      %sign3A_222 = arith.subi %sign3A_218, %sign3A_221 : i32
      %ne3A_223 = arith.cmpi ne, %sign3A_215, %sign3A_222 : i32
      %rem3A_224 = arith.remsi %squeeze3A_206, %jit3A_207 : i32
      %ne3A_225 = arith.constant 0 : i32
      %ne3A_226 = arith.cmpi ne, %rem3A_224, %ne3A_225 : i32
      %and3A_227 = arith.andi %ne3A_223, %ne3A_226 : i1
      %sub3A_228 = arith.constant 1 : i32
      %sub3A_229 = arith.subi %div3A_208, %sub3A_228 : i32
      %select_n3A_230 = arith.select %and3A_227, %sub3A_229, %div3A_208 : i32
      %mul3A_231 = arith.constant 128 : i32
      %mul3A_232 = arith.muli %select_n3A_230, %mul3A_231 : i32
      %multiple_of3A_233 = tpu.assume_multiple %mul3A_232, 128 : i32
      %dma_start3A_234 = arith.constant 0 : i32
      %dma_start3A_235 = arith.constant 256 : i32
      %dma_start3A_236 = tpu.memref_slice %arg12[%dma_start3A_234, %dma_start3A_235] : memref<32x1024xf32, #tpu.memory_space<vmem>> -> memref<32x128xf32, #tpu.memory_space<vmem>>
      %dma_start3A_237 = arith.constant 0 : i32
      %dma_start3A_238 = tpu.memref_slice %arg2[%dma_start3A_237, %multiple_of3A_204] : memref<32x1000000xf32, #tpu.memory_space<hbm>> -> memref<32x128xf32, #tpu.memory_space<hbm>>
      %dma_start3A_239 = arith.constant 0 : i32
      %dma_start3A_240 = arith.constant 256 : i32
      %dma_start3A_241 = tpu.memref_slice %arg12[%dma_start3A_239, %dma_start3A_240] : memref<32x1024xf32, #tpu.memory_space<vmem>> -> memref<32x128xf32, #tpu.memory_space<vmem>>
      %dma_start3A_242 = arith.constant 0 : i32
      %dma_start3A_243 = tpu.memref_slice %arg2[%dma_start3A_242, %multiple_of3A_204] : memref<32x1000000xf32, #tpu.memory_space<hbm>> -> memref<32x128xf32, #tpu.memory_space<hbm>>
      tpu.enqueue_dma source(%dma_start3A_243 : memref<32x128xf32, #tpu.memory_space<hbm>>) target(%dma_start3A_241 : memref<32x128xf32, #tpu.memory_space<vmem>>) target_semaphore(%arg18 : memref<!tpu.dma_semaphore, #tpu.memory_space<semaphore_mem>>)
      %dma_start3A_244 = arith.constant 0 : i32
      %dma_start3A_245 = arith.constant 256 : i32
      %dma_start3A_246 = tpu.memref_slice %arg13[%dma_start3A_244, %dma_start3A_245] : memref<32x1024xf32, #tpu.memory_space<vmem>> -> memref<32x128xf32, #tpu.memory_space<vmem>>
      %dma_start3A_247 = arith.constant 0 : i32
      %dma_start3A_248 = tpu.memref_slice %arg3[%dma_start3A_247, %multiple_of3A_233] : memref<32x1000000xf32, #tpu.memory_space<hbm>> -> memref<32x128xf32, #tpu.memory_space<hbm>>
      %dma_start3A_249 = arith.constant 0 : i32
      %dma_start3A_250 = arith.constant 256 : i32
      %dma_start3A_251 = tpu.memref_slice %arg13[%dma_start3A_249, %dma_start3A_250] : memref<32x1024xf32, #tpu.memory_space<vmem>> -> memref<32x128xf32, #tpu.memory_space<vmem>>
      %dma_start3A_252 = arith.constant 0 : i32
      %dma_start3A_253 = tpu.memref_slice %arg3[%dma_start3A_252, %multiple_of3A_233] : memref<32x1000000xf32, #tpu.memory_space<hbm>> -> memref<32x128xf32, #tpu.memory_space<hbm>>
      tpu.enqueue_dma source(%dma_start3A_253 : memref<32x128xf32, #tpu.memory_space<hbm>>) target(%dma_start3A_251 : memref<32x128xf32, #tpu.memory_space<vmem>>) target_semaphore(%arg18 : memref<!tpu.dma_semaphore, #tpu.memory_space<semaphore_mem>>)
      %slice3A_254 = vector.extract_strided_slice %get3A_25 {offsets = [3], sizes = [1], strides = [1]} : vector<16xi32> to vector<1xi32>
      %squeeze3A_255 = vector.extract %slice3A_254[0] : i32 from vector<1xi32>
      %jit3A_256 = arith.constant 128 : i32
      %div3A_257 = arith.divsi %squeeze3A_255, %jit3A_256 : i32
      %sign3A_258 = arith.constant 0 : i32
      %sign3A_259 = arith.cmpi sgt, %squeeze3A_255, %sign3A_258 : i32
      %sign3A_260 = arith.extui %sign3A_259 : i1 to i32
      %sign3A_261 = arith.constant 0 : i32
      %sign3A_262 = arith.cmpi slt, %squeeze3A_255, %sign3A_261 : i32
      %sign3A_263 = arith.extui %sign3A_262 : i1 to i32
      %sign3A_264 = arith.subi %sign3A_260, %sign3A_263 : i32
      %sign3A_265 = arith.constant 0 : i32
      %sign3A_266 = arith.cmpi sgt, %jit3A_256, %sign3A_265 : i32
      %sign3A_267 = arith.extui %sign3A_266 : i1 to i32
      %sign3A_268 = arith.constant 0 : i32
      %sign3A_269 = arith.cmpi slt, %jit3A_256, %sign3A_268 : i32
      %sign3A_270 = arith.extui %sign3A_269 : i1 to i32
      %sign3A_271 = arith.subi %sign3A_267, %sign3A_270 : i32
      %ne3A_272 = arith.cmpi ne, %sign3A_264, %sign3A_271 : i32
      %rem3A_273 = arith.remsi %squeeze3A_255, %jit3A_256 : i32
      %ne3A_274 = arith.constant 0 : i32
      %ne3A_275 = arith.cmpi ne, %rem3A_273, %ne3A_274 : i32
      %and3A_276 = arith.andi %ne3A_272, %ne3A_275 : i1
      %sub3A_277 = arith.constant 1 : i32
      %sub3A_278 = arith.subi %div3A_257, %sub3A_277 : i32
      %select_n3A_279 = arith.select %and3A_276, %sub3A_278, %div3A_257 : i32
      %mul3A_280 = arith.constant 128 : i32
      %mul3A_281 = arith.muli %select_n3A_279, %mul3A_280 : i32
      %multiple_of3A_282 = tpu.assume_multiple %mul3A_281, 128 : i32
      %slice3A_283 = vector.extract_strided_slice %get3A_29 {offsets = [3], sizes = [1], strides = [1]} : vector<16xi32> to vector<1xi32>
      %squeeze3A_284 = vector.extract %slice3A_283[0] : i32 from vector<1xi32>
      %jit3A_285 = arith.constant 128 : i32
      %div3A_286 = arith.divsi %squeeze3A_284, %jit3A_285 : i32
      %sign3A_287 = arith.constant 0 : i32
      %sign3A_288 = arith.cmpi sgt, %squeeze3A_284, %sign3A_287 : i32
      %sign3A_289 = arith.extui %sign3A_288 : i1 to i32
      %sign3A_290 = arith.constant 0 : i32
      %sign3A_291 = arith.cmpi slt, %squeeze3A_284, %sign3A_290 : i32
      %sign3A_292 = arith.extui %sign3A_291 : i1 to i32
      %sign3A_293 = arith.subi %sign3A_289, %sign3A_292 : i32
      %sign3A_294 = arith.constant 0 : i32
      %sign3A_295 = arith.cmpi sgt, %jit3A_285, %sign3A_294 : i32
      %sign3A_296 = arith.extui %sign3A_295 : i1 to i32
      %sign3A_297 = arith.constant 0 : i32
      %sign3A_298 = arith.cmpi slt, %jit3A_285, %sign3A_297 : i32
      %sign3A_299 = arith.extui %sign3A_298 : i1 to i32
      %sign3A_300 = arith.subi %sign3A_296, %sign3A_299 : i32
      %ne3A_301 = arith.cmpi ne, %sign3A_293, %sign3A_300 : i32
      %rem3A_302 = arith.remsi %squeeze3A_284, %jit3A_285 : i32
      %ne3A_303 = arith.constant 0 : i32
      %ne3A_304 = arith.cmpi ne, %rem3A_302, %ne3A_303 : i32
      %and3A_305 = arith.andi %ne3A_301, %ne3A_304 : i1
      %sub3A_306 = arith.constant 1 : i32
      %sub3A_307 = arith.subi %div3A_286, %sub3A_306 : i32
      %select_n3A_308 = arith.select %and3A_305, %sub3A_307, %div3A_286 : i32
      %mul3A_309 = arith.constant 128 : i32
      %mul3A_310 = arith.muli %select_n3A_308, %mul3A_309 : i32
      %multiple_of3A_311 = tpu.assume_multiple %mul3A_310, 128 : i32
      %dma_start3A_312 = arith.constant 0 : i32
      %dma_start3A_313 = arith.constant 384 : i32
      %dma_start3A_314 = tpu.memref_slice %arg12[%dma_start3A_312, %dma_start3A_313] : memref<32x1024xf32, #tpu.memory_space<vmem>> -> memref<32x128xf32, #tpu.memory_space<vmem>>
      %dma_start3A_315 = arith.constant 0 : i32
      %dma_start3A_316 = tpu.memref_slice %arg2[%dma_start3A_315, %multiple_of3A_282] : memref<32x1000000xf32, #tpu.memory_space<hbm>> -> memref<32x128xf32, #tpu.memory_space<hbm>>
      %dma_start3A_317 = arith.constant 0 : i32
      %dma_start3A_318 = arith.constant 384 : i32
      %dma_start3A_319 = tpu.memref_slice %arg12[%dma_start3A_317, %dma_start3A_318] : memref<32x1024xf32, #tpu.memory_space<vmem>> -> memref<32x128xf32, #tpu.memory_space<vmem>>
      %dma_start3A_320 = arith.constant 0 : i32
      %dma_start3A_321 = tpu.memref_slice %arg2[%dma_start3A_320, %multiple_of3A_282] : memref<32x1000000xf32, #tpu.memory_space<hbm>> -> memref<32x128xf32, #tpu.memory_space<hbm>>
      tpu.enqueue_dma source(%dma_start3A_321 : memref<32x128xf32, #tpu.memory_space<hbm>>) target(%dma_start3A_319 : memref<32x128xf32, #tpu.memory_space<vmem>>) target_semaphore(%arg18 : memref<!tpu.dma_semaphore, #tpu.memory_space<semaphore_mem>>)
      %dma_start3A_322 = arith.constant 0 : i32
      %dma_start3A_323 = arith.constant 384 : i32
      %dma_start3A_324 = tpu.memref_slice %arg13[%dma_start3A_322, %dma_start3A_323] : memref<32x1024xf32, #tpu.memory_space<vmem>> -> memref<32x128xf32, #tpu.memory_space<vmem>>
      %dma_start3A_325 = arith.constant 0 : i32
      %dma_start3A_326 = tpu.memref_slice %arg3[%dma_start3A_325, %multiple_of3A_311] : memref<32x1000000xf32, #tpu.memory_space<hbm>> -> memref<32x128xf32, #tpu.memory_space<hbm>>
      %dma_start3A_327 = arith.constant 0 : i32
      %dma_start3A_328 = arith.constant 384 : i32
      %dma_start3A_329 = tpu.memref_slice %arg13[%dma_start3A_327, %dma_start3A_328] : memref<32x1024xf32, #tpu.memory_space<vmem>> -> memref<32x128xf32, #tpu.memory_space<vmem>>
      %dma_start3A_330 = arith.constant 0 : i32
      %dma_start3A_331 = tpu.memref_slice %arg3[%dma_start3A_330, %multiple_of3A_311] : memref<32x1000000xf32, #tpu.memory_space<hbm>> -> memref<32x128xf32, #tpu.memory_space<hbm>>
      tpu.enqueue_dma source(%dma_start3A_331 : memref<32x128xf32, #tpu.memory_space<hbm>>) target(%dma_start3A_329 : memref<32x128xf32, #tpu.memory_space<vmem>>) target_semaphore(%arg18 : memref<!tpu.dma_semaphore, #tpu.memory_space<semaphore_mem>>)
      %slice3A_332 = vector.extract_strided_slice %get3A_25 {offsets = [4], sizes = [1], strides = [1]} : vector<16xi32> to vector<1xi32>
      %squeeze3A_333 = vector.extract %slice3A_332[0] : i32 from vector<1xi32>
      %jit3A_334 = arith.constant 128 : i32
      %div3A_335 = arith.divsi %squeeze3A_333, %jit3A_334 : i32
      %sign3A_336 = arith.constant 0 : i32
      %sign3A_337 = arith.cmpi sgt, %squeeze3A_333, %sign3A_336 : i32
      %sign3A_338 = arith.extui %sign3A_337 : i1 to i32
      %sign3A_339 = arith.constant 0 : i32
      %sign3A_340 = arith.cmpi slt, %squeeze3A_333, %sign3A_339 : i32
      %sign3A_341 = arith.extui %sign3A_340 : i1 to i32
      %sign3A_342 = arith.subi %sign3A_338, %sign3A_341 : i32
      %sign3A_343 = arith.constant 0 : i32
      %sign3A_344 = arith.cmpi sgt, %jit3A_334, %sign3A_343 : i32
      %sign3A_345 = arith.extui %sign3A_344 : i1 to i32
      %sign3A_346 = arith.constant 0 : i32
      %sign3A_347 = arith.cmpi slt, %jit3A_334, %sign3A_346 : i32
      %sign3A_348 = arith.extui %sign3A_347 : i1 to i32
      %sign3A_349 = arith.subi %sign3A_345, %sign3A_348 : i32
      %ne3A_350 = arith.cmpi ne, %sign3A_342, %sign3A_349 : i32
      %rem3A_351 = arith.remsi %squeeze3A_333, %jit3A_334 : i32
      %ne3A_352 = arith.constant 0 : i32
      %ne3A_353 = arith.cmpi ne, %rem3A_351, %ne3A_352 : i32
      %and3A_354 = arith.andi %ne3A_350, %ne3A_353 : i1
      %sub3A_355 = arith.constant 1 : i32
      %sub3A_356 = arith.subi %div3A_335, %sub3A_355 : i32
      %select_n3A_357 = arith.select %and3A_354, %sub3A_356, %div3A_335 : i32
      %mul3A_358 = arith.constant 128 : i32
      %mul3A_359 = arith.muli %select_n3A_357, %mul3A_358 : i32
      %multiple_of3A_360 = tpu.assume_multiple %mul3A_359, 128 : i32
      %slice3A_361 = vector.extract_strided_slice %get3A_29 {offsets = [4], sizes = [1], strides = [1]} : vector<16xi32> to vector<1xi32>
      %squeeze3A_362 = vector.extract %slice3A_361[0] : i32 from vector<1xi32>
      %jit3A_363 = arith.constant 128 : i32
      %div3A_364 = arith.divsi %squeeze3A_362, %jit3A_363 : i32
      %sign3A_365 = arith.constant 0 : i32
      %sign3A_366 = arith.cmpi sgt, %squeeze3A_362, %sign3A_365 : i32
      %sign3A_367 = arith.extui %sign3A_366 : i1 to i32
      %sign3A_368 = arith.constant 0 : i32
      %sign3A_369 = arith.cmpi slt, %squeeze3A_362, %sign3A_368 : i32
      %sign3A_370 = arith.extui %sign3A_369 : i1 to i32
      %sign3A_371 = arith.subi %sign3A_367, %sign3A_370 : i32
      %sign3A_372 = arith.constant 0 : i32
      %sign3A_373 = arith.cmpi sgt, %jit3A_363, %sign3A_372 : i32
      %sign3A_374 = arith.extui %sign3A_373 : i1 to i32
      %sign3A_375 = arith.constant 0 : i32
      %sign3A_376 = arith.cmpi slt, %jit3A_363, %sign3A_375 : i32
      %sign3A_377 = arith.extui %sign3A_376 : i1 to i32
      %sign3A_378 = arith.subi %sign3A_374, %sign3A_377 : i32
      %ne3A_379 = arith.cmpi ne, %sign3A_371, %sign3A_378 : i32
      %rem3A_380 = arith.remsi %squeeze3A_362, %jit3A_363 : i32
      %ne3A_381 = arith.constant 0 : i32
      %ne3A_382 = arith.cmpi ne, %rem3A_380, %ne3A_381 : i32
      %and3A_383 = arith.andi %ne3A_379, %ne3A_382 : i1
      %sub3A_384 = arith.constant 1 : i32
      %sub3A_385 = arith.subi %div3A_364, %sub3A_384 : i32
      %select_n3A_386 = arith.select %and3A_383, %sub3A_385, %div3A_364 : i32
      %mul3A_387 = arith.constant 128 : i32
      %mul3A_388 = arith.muli %select_n3A_386, %mul3A_387 : i32
      %multiple_of3A_389 = tpu.assume_multiple %mul3A_388, 128 : i32
      %dma_start3A_390 = arith.constant 0 : i32
      %dma_start3A_391 = arith.constant 512 : i32
      %dma_start3A_392 = tpu.memref_slice %arg12[%dma_start3A_390, %dma_start3A_391] : memref<32x1024xf32, #tpu.memory_space<vmem>> -> memref<32x128xf32, #tpu.memory_space<vmem>>
      %dma_start3A_393 = arith.constant 0 : i32
      %dma_start3A_394 = tpu.memref_slice %arg2[%dma_start3A_393, %multiple_of3A_360] : memref<32x1000000xf32, #tpu.memory_space<hbm>> -> memref<32x128xf32, #tpu.memory_space<hbm>>
      %dma_start3A_395 = arith.constant 0 : i32
      %dma_start3A_396 = arith.constant 512 : i32
      %dma_start3A_397 = tpu.memref_slice %arg12[%dma_start3A_395, %dma_start3A_396] : memref<32x1024xf32, #tpu.memory_space<vmem>> -> memref<32x128xf32, #tpu.memory_space<vmem>>
      %dma_start3A_398 = arith.constant 0 : i32
      %dma_start3A_399 = tpu.memref_slice %arg2[%dma_start3A_398, %multiple_of3A_360] : memref<32x1000000xf32, #tpu.memory_space<hbm>> -> memref<32x128xf32, #tpu.memory_space<hbm>>
      tpu.enqueue_dma source(%dma_start3A_399 : memref<32x128xf32, #tpu.memory_space<hbm>>) target(%dma_start3A_397 : memref<32x128xf32, #tpu.memory_space<vmem>>) target_semaphore(%arg18 : memref<!tpu.dma_semaphore, #tpu.memory_space<semaphore_mem>>)
      %dma_start3A_400 = arith.constant 0 : i32
      %dma_start3A_401 = arith.constant 512 : i32
      %dma_start3A_402 = tpu.memref_slice %arg13[%dma_start3A_400, %dma_start3A_401] : memref<32x1024xf32, #tpu.memory_space<vmem>> -> memref<32x128xf32, #tpu.memory_space<vmem>>
      %dma_start3A_403 = arith.constant 0 : i32
      %dma_start3A_404 = tpu.memref_slice %arg3[%dma_start3A_403, %multiple_of3A_389] : memref<32x1000000xf32, #tpu.memory_space<hbm>> -> memref<32x128xf32, #tpu.memory_space<hbm>>
      %dma_start3A_405 = arith.constant 0 : i32
      %dma_start3A_406 = arith.constant 512 : i32
      %dma_start3A_407 = tpu.memref_slice %arg13[%dma_start3A_405, %dma_start3A_406] : memref<32x1024xf32, #tpu.memory_space<vmem>> -> memref<32x128xf32, #tpu.memory_space<vmem>>
      %dma_start3A_408 = arith.constant 0 : i32
      %dma_start3A_409 = tpu.memref_slice %arg3[%dma_start3A_408, %multiple_of3A_389] : memref<32x1000000xf32, #tpu.memory_space<hbm>> -> memref<32x128xf32, #tpu.memory_space<hbm>>
      tpu.enqueue_dma source(%dma_start3A_409 : memref<32x128xf32, #tpu.memory_space<hbm>>) target(%dma_start3A_407 : memref<32x128xf32, #tpu.memory_space<vmem>>) target_semaphore(%arg18 : memref<!tpu.dma_semaphore, #tpu.memory_space<semaphore_mem>>)
      %slice3A_410 = vector.extract_strided_slice %get3A_25 {offsets = [5], sizes = [1], strides = [1]} : vector<16xi32> to vector<1xi32>
      %squeeze3A_411 = vector.extract %slice3A_410[0] : i32 from vector<1xi32>
      %jit3A_412 = arith.constant 128 : i32
      %div3A_413 = arith.divsi %squeeze3A_411, %jit3A_412 : i32
      %sign3A_414 = arith.constant 0 : i32
      %sign3A_415 = arith.cmpi sgt, %squeeze3A_411, %sign3A_414 : i32
      %sign3A_416 = arith.extui %sign3A_415 : i1 to i32
      %sign3A_417 = arith.constant 0 : i32
      %sign3A_418 = arith.cmpi slt, %squeeze3A_411, %sign3A_417 : i32
      %sign3A_419 = arith.extui %sign3A_418 : i1 to i32
      %sign3A_420 = arith.subi %sign3A_416, %sign3A_419 : i32
      %sign3A_421 = arith.constant 0 : i32
      %sign3A_422 = arith.cmpi sgt, %jit3A_412, %sign3A_421 : i32
      %sign3A_423 = arith.extui %sign3A_422 : i1 to i32
      %sign3A_424 = arith.constant 0 : i32
      %sign3A_425 = arith.cmpi slt, %jit3A_412, %sign3A_424 : i32
      %sign3A_426 = arith.extui %sign3A_425 : i1 to i32
      %sign3A_427 = arith.subi %sign3A_423, %sign3A_426 : i32
      %ne3A_428 = arith.cmpi ne, %sign3A_420, %sign3A_427 : i32
      %rem3A_429 = arith.remsi %squeeze3A_411, %jit3A_412 : i32
      %ne3A_430 = arith.constant 0 : i32
      %ne3A_431 = arith.cmpi ne, %rem3A_429, %ne3A_430 : i32
      %and3A_432 = arith.andi %ne3A_428, %ne3A_431 : i1
      %sub3A_433 = arith.constant 1 : i32
      %sub3A_434 = arith.subi %div3A_413, %sub3A_433 : i32
      %select_n3A_435 = arith.select %and3A_432, %sub3A_434, %div3A_413 : i32
      %mul3A_436 = arith.constant 128 : i32
      %mul3A_437 = arith.muli %select_n3A_435, %mul3A_436 : i32
      %multiple_of3A_438 = tpu.assume_multiple %mul3A_437, 128 : i32
      %slice3A_439 = vector.extract_strided_slice %get3A_29 {offsets = [5], sizes = [1], strides = [1]} : vector<16xi32> to vector<1xi32>
      %squeeze3A_440 = vector.extract %slice3A_439[0] : i32 from vector<1xi32>
      %jit3A_441 = arith.constant 128 : i32
      %div3A_442 = arith.divsi %squeeze3A_440, %jit3A_441 : i32
      %sign3A_443 = arith.constant 0 : i32
      %sign3A_444 = arith.cmpi sgt, %squeeze3A_440, %sign3A_443 : i32
      %sign3A_445 = arith.extui %sign3A_444 : i1 to i32
      %sign3A_446 = arith.constant 0 : i32
      %sign3A_447 = arith.cmpi slt, %squeeze3A_440, %sign3A_446 : i32
      %sign3A_448 = arith.extui %sign3A_447 : i1 to i32
      %sign3A_449 = arith.subi %sign3A_445, %sign3A_448 : i32
      %sign3A_450 = arith.constant 0 : i32
      %sign3A_451 = arith.cmpi sgt, %jit3A_441, %sign3A_450 : i32
      %sign3A_452 = arith.extui %sign3A_451 : i1 to i32
      %sign3A_453 = arith.constant 0 : i32
      %sign3A_454 = arith.cmpi slt, %jit3A_441, %sign3A_453 : i32
      %sign3A_455 = arith.extui %sign3A_454 : i1 to i32
      %sign3A_456 = arith.subi %sign3A_452, %sign3A_455 : i32
      %ne3A_457 = arith.cmpi ne, %sign3A_449, %sign3A_456 : i32
      %rem3A_458 = arith.remsi %squeeze3A_440, %jit3A_441 : i32
      %ne3A_459 = arith.constant 0 : i32
      %ne3A_460 = arith.cmpi ne, %rem3A_458, %ne3A_459 : i32
      %and3A_461 = arith.andi %ne3A_457, %ne3A_460 : i1
      %sub3A_462 = arith.constant 1 : i32
      %sub3A_463 = arith.subi %div3A_442, %sub3A_462 : i32
      %select_n3A_464 = arith.select %and3A_461, %sub3A_463, %div3A_442 : i32
      %mul3A_465 = arith.constant 128 : i32
      %mul3A_466 = arith.muli %select_n3A_464, %mul3A_465 : i32
      %multiple_of3A_467 = tpu.assume_multiple %mul3A_466, 128 : i32
      %dma_start3A_468 = arith.constant 0 : i32
      %dma_start3A_469 = arith.constant 640 : i32
      %dma_start3A_470 = tpu.memref_slice %arg12[%dma_start3A_468, %dma_start3A_469] : memref<32x1024xf32, #tpu.memory_space<vmem>> -> memref<32x128xf32, #tpu.memory_space<vmem>>
      %dma_start3A_471 = arith.constant 0 : i32
      %dma_start3A_472 = tpu.memref_slice %arg2[%dma_start3A_471, %multiple_of3A_438] : memref<32x1000000xf32, #tpu.memory_space<hbm>> -> memref<32x128xf32, #tpu.memory_space<hbm>>
      %dma_start3A_473 = arith.constant 0 : i32
      %dma_start3A_474 = arith.constant 640 : i32
      %dma_start3A_475 = tpu.memref_slice %arg12[%dma_start3A_473, %dma_start3A_474] : memref<32x1024xf32, #tpu.memory_space<vmem>> -> memref<32x128xf32, #tpu.memory_space<vmem>>
      %dma_start3A_476 = arith.constant 0 : i32
      %dma_start3A_477 = tpu.memref_slice %arg2[%dma_start3A_476, %multiple_of3A_438] : memref<32x1000000xf32, #tpu.memory_space<hbm>> -> memref<32x128xf32, #tpu.memory_space<hbm>>
      tpu.enqueue_dma source(%dma_start3A_477 : memref<32x128xf32, #tpu.memory_space<hbm>>) target(%dma_start3A_475 : memref<32x128xf32, #tpu.memory_space<vmem>>) target_semaphore(%arg18 : memref<!tpu.dma_semaphore, #tpu.memory_space<semaphore_mem>>)
      %dma_start3A_478 = arith.constant 0 : i32
      %dma_start3A_479 = arith.constant 640 : i32
      %dma_start3A_480 = tpu.memref_slice %arg13[%dma_start3A_478, %dma_start3A_479] : memref<32x1024xf32, #tpu.memory_space<vmem>> -> memref<32x128xf32, #tpu.memory_space<vmem>>
      %dma_start3A_481 = arith.constant 0 : i32
      %dma_start3A_482 = tpu.memref_slice %arg3[%dma_start3A_481, %multiple_of3A_467] : memref<32x1000000xf32, #tpu.memory_space<hbm>> -> memref<32x128xf32, #tpu.memory_space<hbm>>
      %dma_start3A_483 = arith.constant 0 : i32
      %dma_start3A_484 = arith.constant 640 : i32
      %dma_start3A_485 = tpu.memref_slice %arg13[%dma_start3A_483, %dma_start3A_484] : memref<32x1024xf32, #tpu.memory_space<vmem>> -> memref<32x128xf32, #tpu.memory_space<vmem>>
      %dma_start3A_486 = arith.constant 0 : i32
      %dma_start3A_487 = tpu.memref_slice %arg3[%dma_start3A_486, %multiple_of3A_467] : memref<32x1000000xf32, #tpu.memory_space<hbm>> -> memref<32x128xf32, #tpu.memory_space<hbm>>
      tpu.enqueue_dma source(%dma_start3A_487 : memref<32x128xf32, #tpu.memory_space<hbm>>) target(%dma_start3A_485 : memref<32x128xf32, #tpu.memory_space<vmem>>) target_semaphore(%arg18 : memref<!tpu.dma_semaphore, #tpu.memory_space<semaphore_mem>>)
      %slice3A_488 = vector.extract_strided_slice %get3A_25 {offsets = [6], sizes = [1], strides = [1]} : vector<16xi32> to vector<1xi32>
      %squeeze3A_489 = vector.extract %slice3A_488[0] : i32 from vector<1xi32>
      %jit3A_490 = arith.constant 128 : i32
      %div3A_491 = arith.divsi %squeeze3A_489, %jit3A_490 : i32
      %sign3A_492 = arith.constant 0 : i32
      %sign3A_493 = arith.cmpi sgt, %squeeze3A_489, %sign3A_492 : i32
      %sign3A_494 = arith.extui %sign3A_493 : i1 to i32
      %sign3A_495 = arith.constant 0 : i32
      %sign3A_496 = arith.cmpi slt, %squeeze3A_489, %sign3A_495 : i32
      %sign3A_497 = arith.extui %sign3A_496 : i1 to i32
      %sign3A_498 = arith.subi %sign3A_494, %sign3A_497 : i32
      %sign3A_499 = arith.constant 0 : i32
      %sign3A_500 = arith.cmpi sgt, %jit3A_490, %sign3A_499 : i32
      %sign3A_501 = arith.extui %sign3A_500 : i1 to i32
      %sign3A_502 = arith.constant 0 : i32
      %sign3A_503 = arith.cmpi slt, %jit3A_490, %sign3A_502 : i32
      %sign3A_504 = arith.extui %sign3A_503 : i1 to i32
      %sign3A_505 = arith.subi %sign3A_501, %sign3A_504 : i32
      %ne3A_506 = arith.cmpi ne, %sign3A_498, %sign3A_505 : i32
      %rem3A_507 = arith.remsi %squeeze3A_489, %jit3A_490 : i32
      %ne3A_508 = arith.constant 0 : i32
      %ne3A_509 = arith.cmpi ne, %rem3A_507, %ne3A_508 : i32
      %and3A_510 = arith.andi %ne3A_506, %ne3A_509 : i1
      %sub3A_511 = arith.constant 1 : i32
      %sub3A_512 = arith.subi %div3A_491, %sub3A_511 : i32
      %select_n3A_513 = arith.select %and3A_510, %sub3A_512, %div3A_491 : i32
      %mul3A_514 = arith.constant 128 : i32
      %mul3A_515 = arith.muli %select_n3A_513, %mul3A_514 : i32
      %multiple_of3A_516 = tpu.assume_multiple %mul3A_515, 128 : i32
      %slice3A_517 = vector.extract_strided_slice %get3A_29 {offsets = [6], sizes = [1], strides = [1]} : vector<16xi32> to vector<1xi32>
      %squeeze3A_518 = vector.extract %slice3A_517[0] : i32 from vector<1xi32>
      %jit3A_519 = arith.constant 128 : i32
      %div3A_520 = arith.divsi %squeeze3A_518, %jit3A_519 : i32
      %sign3A_521 = arith.constant 0 : i32
      %sign3A_522 = arith.cmpi sgt, %squeeze3A_518, %sign3A_521 : i32
      %sign3A_523 = arith.extui %sign3A_522 : i1 to i32
      %sign3A_524 = arith.constant 0 : i32
      %sign3A_525 = arith.cmpi slt, %squeeze3A_518, %sign3A_524 : i32
      %sign3A_526 = arith.extui %sign3A_525 : i1 to i32
      %sign3A_527 = arith.subi %sign3A_523, %sign3A_526 : i32
      %sign3A_528 = arith.constant 0 : i32
      %sign3A_529 = arith.cmpi sgt, %jit3A_519, %sign3A_528 : i32
      %sign3A_530 = arith.extui %sign3A_529 : i1 to i32
      %sign3A_531 = arith.constant 0 : i32
      %sign3A_532 = arith.cmpi slt, %jit3A_519, %sign3A_531 : i32
      %sign3A_533 = arith.extui %sign3A_532 : i1 to i32
      %sign3A_534 = arith.subi %sign3A_530, %sign3A_533 : i32
      %ne3A_535 = arith.cmpi ne, %sign3A_527, %sign3A_534 : i32
      %rem3A_536 = arith.remsi %squeeze3A_518, %jit3A_519 : i32
      %ne3A_537 = arith.constant 0 : i32
      %ne3A_538 = arith.cmpi ne, %rem3A_536, %ne3A_537 : i32
      %and3A_539 = arith.andi %ne3A_535, %ne3A_538 : i1
      %sub3A_540 = arith.constant 1 : i32
      %sub3A_541 = arith.subi %div3A_520, %sub3A_540 : i32
      %select_n3A_542 = arith.select %and3A_539, %sub3A_541, %div3A_520 : i32
      %mul3A_543 = arith.constant 128 : i32
      %mul3A_544 = arith.muli %select_n3A_542, %mul3A_543 : i32
      %multiple_of3A_545 = tpu.assume_multiple %mul3A_544, 128 : i32
      %dma_start3A_546 = arith.constant 0 : i32
      %dma_start3A_547 = arith.constant 768 : i32
      %dma_start3A_548 = tpu.memref_slice %arg12[%dma_start3A_546, %dma_start3A_547] : memref<32x1024xf32, #tpu.memory_space<vmem>> -> memref<32x128xf32, #tpu.memory_space<vmem>>
      %dma_start3A_549 = arith.constant 0 : i32
      %dma_start3A_550 = tpu.memref_slice %arg2[%dma_start3A_549, %multiple_of3A_516] : memref<32x1000000xf32, #tpu.memory_space<hbm>> -> memref<32x128xf32, #tpu.memory_space<hbm>>
      %dma_start3A_551 = arith.constant 0 : i32
      %dma_start3A_552 = arith.constant 768 : i32
      %dma_start3A_553 = tpu.memref_slice %arg12[%dma_start3A_551, %dma_start3A_552] : memref<32x1024xf32, #tpu.memory_space<vmem>> -> memref<32x128xf32, #tpu.memory_space<vmem>>
      %dma_start3A_554 = arith.constant 0 : i32
      %dma_start3A_555 = tpu.memref_slice %arg2[%dma_start3A_554, %multiple_of3A_516] : memref<32x1000000xf32, #tpu.memory_space<hbm>> -> memref<32x128xf32, #tpu.memory_space<hbm>>
      tpu.enqueue_dma source(%dma_start3A_555 : memref<32x128xf32, #tpu.memory_space<hbm>>) target(%dma_start3A_553 : memref<32x128xf32, #tpu.memory_space<vmem>>) target_semaphore(%arg18 : memref<!tpu.dma_semaphore, #tpu.memory_space<semaphore_mem>>)
      %dma_start3A_556 = arith.constant 0 : i32
      %dma_start3A_557 = arith.constant 768 : i32
      %dma_start3A_558 = tpu.memref_slice %arg13[%dma_start3A_556, %dma_start3A_557] : memref<32x1024xf32, #tpu.memory_space<vmem>> -> memref<32x128xf32, #tpu.memory_space<vmem>>
      %dma_start3A_559 = arith.constant 0 : i32
      %dma_start3A_560 = tpu.memref_slice %arg3[%dma_start3A_559, %multiple_of3A_545] : memref<32x1000000xf32, #tpu.memory_space<hbm>> -> memref<32x128xf32, #tpu.memory_space<hbm>>
      %dma_start3A_561 = arith.constant 0 : i32
      %dma_start3A_562 = arith.constant 768 : i32
      %dma_start3A_563 = tpu.memref_slice %arg13[%dma_start3A_561, %dma_start3A_562] : memref<32x1024xf32, #tpu.memory_space<vmem>> -> memref<32x128xf32, #tpu.memory_space<vmem>>
      %dma_start3A_564 = arith.constant 0 : i32
      %dma_start3A_565 = tpu.memref_slice %arg3[%dma_start3A_564, %multiple_of3A_545] : memref<32x1000000xf32, #tpu.memory_space<hbm>> -> memref<32x128xf32, #tpu.memory_space<hbm>>
      tpu.enqueue_dma source(%dma_start3A_565 : memref<32x128xf32, #tpu.memory_space<hbm>>) target(%dma_start3A_563 : memref<32x128xf32, #tpu.memory_space<vmem>>) target_semaphore(%arg18 : memref<!tpu.dma_semaphore, #tpu.memory_space<semaphore_mem>>)
      %slice3A_566 = vector.extract_strided_slice %get3A_25 {offsets = [7], sizes = [1], strides = [1]} : vector<16xi32> to vector<1xi32>
      %squeeze3A_567 = vector.extract %slice3A_566[0] : i32 from vector<1xi32>
      %jit3A_568 = arith.constant 128 : i32
      %div3A_569 = arith.divsi %squeeze3A_567, %jit3A_568 : i32
      %sign3A_570 = arith.constant 0 : i32
      %sign3A_571 = arith.cmpi sgt, %squeeze3A_567, %sign3A_570 : i32
      %sign3A_572 = arith.extui %sign3A_571 : i1 to i32
      %sign3A_573 = arith.constant 0 : i32
      %sign3A_574 = arith.cmpi slt, %squeeze3A_567, %sign3A_573 : i32
      %sign3A_575 = arith.extui %sign3A_574 : i1 to i32
      %sign3A_576 = arith.subi %sign3A_572, %sign3A_575 : i32
      %sign3A_577 = arith.constant 0 : i32
      %sign3A_578 = arith.cmpi sgt, %jit3A_568, %sign3A_577 : i32
      %sign3A_579 = arith.extui %sign3A_578 : i1 to i32
      %sign3A_580 = arith.constant 0 : i32
      %sign3A_581 = arith.cmpi slt, %jit3A_568, %sign3A_580 : i32
      %sign3A_582 = arith.extui %sign3A_581 : i1 to i32
      %sign3A_583 = arith.subi %sign3A_579, %sign3A_582 : i32
      %ne3A_584 = arith.cmpi ne, %sign3A_576, %sign3A_583 : i32
      %rem3A_585 = arith.remsi %squeeze3A_567, %jit3A_568 : i32
      %ne3A_586 = arith.constant 0 : i32
      %ne3A_587 = arith.cmpi ne, %rem3A_585, %ne3A_586 : i32
      %and3A_588 = arith.andi %ne3A_584, %ne3A_587 : i1
      %sub3A_589 = arith.constant 1 : i32
      %sub3A_590 = arith.subi %div3A_569, %sub3A_589 : i32
      %select_n3A_591 = arith.select %and3A_588, %sub3A_590, %div3A_569 : i32
      %mul3A_592 = arith.constant 128 : i32
      %mul3A_593 = arith.muli %select_n3A_591, %mul3A_592 : i32
      %multiple_of3A_594 = tpu.assume_multiple %mul3A_593, 128 : i32
      %slice3A_595 = vector.extract_strided_slice %get3A_29 {offsets = [7], sizes = [1], strides = [1]} : vector<16xi32> to vector<1xi32>
      %squeeze3A_596 = vector.extract %slice3A_595[0] : i32 from vector<1xi32>
      %jit3A_597 = arith.constant 128 : i32
      %div3A_598 = arith.divsi %squeeze3A_596, %jit3A_597 : i32
      %sign3A_599 = arith.constant 0 : i32
      %sign3A_600 = arith.cmpi sgt, %squeeze3A_596, %sign3A_599 : i32
      %sign3A_601 = arith.extui %sign3A_600 : i1 to i32
      %sign3A_602 = arith.constant 0 : i32
      %sign3A_603 = arith.cmpi slt, %squeeze3A_596, %sign3A_602 : i32
      %sign3A_604 = arith.extui %sign3A_603 : i1 to i32
      %sign3A_605 = arith.subi %sign3A_601, %sign3A_604 : i32
      %sign3A_606 = arith.constant 0 : i32
      %sign3A_607 = arith.cmpi sgt, %jit3A_597, %sign3A_606 : i32
      %sign3A_608 = arith.extui %sign3A_607 : i1 to i32
      %sign3A_609 = arith.constant 0 : i32
      %sign3A_610 = arith.cmpi slt, %jit3A_597, %sign3A_609 : i32
      %sign3A_611 = arith.extui %sign3A_610 : i1 to i32
      %sign3A_612 = arith.subi %sign3A_608, %sign3A_611 : i32
      %ne3A_613 = arith.cmpi ne, %sign3A_605, %sign3A_612 : i32
      %rem3A_614 = arith.remsi %squeeze3A_596, %jit3A_597 : i32
      %ne3A_615 = arith.constant 0 : i32
      %ne3A_616 = arith.cmpi ne, %rem3A_614, %ne3A_615 : i32
      %and3A_617 = arith.andi %ne3A_613, %ne3A_616 : i1
      %sub3A_618 = arith.constant 1 : i32
      %sub3A_619 = arith.subi %div3A_598, %sub3A_618 : i32
      %select_n3A_620 = arith.select %and3A_617, %sub3A_619, %div3A_598 : i32
      %mul3A_621 = arith.constant 128 : i32
      %mul3A_622 = arith.muli %select_n3A_620, %mul3A_621 : i32
      %multiple_of3A_623 = tpu.assume_multiple %mul3A_622, 128 : i32
      %dma_start3A_624 = arith.constant 0 : i32
      %dma_start3A_625 = arith.constant 896 : i32
      %dma_start3A_626 = tpu.memref_slice %arg12[%dma_start3A_624, %dma_start3A_625] : memref<32x1024xf32, #tpu.memory_space<vmem>> -> memref<32x128xf32, #tpu.memory_space<vmem>>
      %dma_start3A_627 = arith.constant 0 : i32
      %dma_start3A_628 = tpu.memref_slice %arg2[%dma_start3A_627, %multiple_of3A_594] : memref<32x1000000xf32, #tpu.memory_space<hbm>> -> memref<32x128xf32, #tpu.memory_space<hbm>>
      %dma_start3A_629 = arith.constant 0 : i32
      %dma_start3A_630 = arith.constant 896 : i32
      %dma_start3A_631 = tpu.memref_slice %arg12[%dma_start3A_629, %dma_start3A_630] : memref<32x1024xf32, #tpu.memory_space<vmem>> -> memref<32x128xf32, #tpu.memory_space<vmem>>
      %dma_start3A_632 = arith.constant 0 : i32
      %dma_start3A_633 = tpu.memref_slice %arg2[%dma_start3A_632, %multiple_of3A_594] : memref<32x1000000xf32, #tpu.memory_space<hbm>> -> memref<32x128xf32, #tpu.memory_space<hbm>>
      tpu.enqueue_dma source(%dma_start3A_633 : memref<32x128xf32, #tpu.memory_space<hbm>>) target(%dma_start3A_631 : memref<32x128xf32, #tpu.memory_space<vmem>>) target_semaphore(%arg18 : memref<!tpu.dma_semaphore, #tpu.memory_space<semaphore_mem>>)
      %dma_start3A_634 = arith.constant 0 : i32
      %dma_start3A_635 = arith.constant 896 : i32
      %dma_start3A_636 = tpu.memref_slice %arg13[%dma_start3A_634, %dma_start3A_635] : memref<32x1024xf32, #tpu.memory_space<vmem>> -> memref<32x128xf32, #tpu.memory_space<vmem>>
      %dma_start3A_637 = arith.constant 0 : i32
      %dma_start3A_638 = tpu.memref_slice %arg3[%dma_start3A_637, %multiple_of3A_623] : memref<32x1000000xf32, #tpu.memory_space<hbm>> -> memref<32x128xf32, #tpu.memory_space<hbm>>
      %dma_start3A_639 = arith.constant 0 : i32
      %dma_start3A_640 = arith.constant 896 : i32
      %dma_start3A_641 = tpu.memref_slice %arg13[%dma_start3A_639, %dma_start3A_640] : memref<32x1024xf32, #tpu.memory_space<vmem>> -> memref<32x128xf32, #tpu.memory_space<vmem>>
      %dma_start3A_642 = arith.constant 0 : i32
      %dma_start3A_643 = tpu.memref_slice %arg3[%dma_start3A_642, %multiple_of3A_623] : memref<32x1000000xf32, #tpu.memory_space<hbm>> -> memref<32x128xf32, #tpu.memory_space<hbm>>
      tpu.enqueue_dma source(%dma_start3A_643 : memref<32x128xf32, #tpu.memory_space<hbm>>) target(%dma_start3A_641 : memref<32x128xf32, #tpu.memory_space<vmem>>) target_semaphore(%arg18 : memref<!tpu.dma_semaphore, #tpu.memory_space<semaphore_mem>>)
      %dma_wait3A_644 = arith.constant 0 : i32
      %dma_wait3A_645 = arith.constant 0 : i32
      %dma_wait3A_646 = tpu.memref_slice %arg12[%dma_wait3A_644, %dma_wait3A_645] : memref<32x1024xf32, #tpu.memory_space<vmem>> -> memref<32x128xf32, #tpu.memory_space<vmem>>
      %dma_wait3A_647 = arith.constant 0 : i32
      %dma_wait3A_648 = tpu.memref_slice %arg2[%dma_wait3A_647, %multiple_of3A] : memref<32x1000000xf32, #tpu.memory_space<hbm>> -> memref<32x128xf32, #tpu.memory_space<hbm>>
      %dma_wait3A_649 = arith.constant 0 : i32
      %dma_wait3A_650 = arith.constant 0 : i32
      %dma_wait3A_651 = tpu.memref_slice %arg12[%dma_wait3A_649, %dma_wait3A_650] : memref<32x1024xf32, #tpu.memory_space<vmem>> -> memref<32x128xf32, #tpu.memory_space<vmem>>
      %dma_wait3A_652 = arith.constant 0 : i32
      %dma_wait3A_653 = tpu.memref_slice %arg2[%dma_wait3A_652, %multiple_of3A] : memref<32x1000000xf32, #tpu.memory_space<hbm>> -> memref<32x128xf32, #tpu.memory_space<hbm>>
      tpu.wait_dma2 semaphore(%arg18 : memref<!tpu.dma_semaphore, #tpu.memory_space<semaphore_mem>>) src(%dma_wait3A_653 : memref<32x128xf32, #tpu.memory_space<hbm>>) dst(%dma_wait3A_651 : memref<32x128xf32, #tpu.memory_space<vmem>>)
      %dma_wait3A_654 = arith.constant 0 : i32
      %dma_wait3A_655 = arith.constant 0 : i32
      %dma_wait3A_656 = tpu.memref_slice %arg13[%dma_wait3A_654, %dma_wait3A_655] : memref<32x1024xf32, #tpu.memory_space<vmem>> -> memref<32x128xf32, #tpu.memory_space<vmem>>
      %dma_wait3A_657 = arith.constant 0 : i32
      %dma_wait3A_658 = tpu.memref_slice %arg3[%dma_wait3A_657, %multiple_of3A_77] : memref<32x1000000xf32, #tpu.memory_space<hbm>> -> memref<32x128xf32, #tpu.memory_space<hbm>>
      %dma_wait3A_659 = arith.constant 0 : i32
      %dma_wait3A_660 = arith.constant 0 : i32
      %dma_wait3A_661 = tpu.memref_slice %arg13[%dma_wait3A_659, %dma_wait3A_660] : memref<32x1024xf32, #tpu.memory_space<vmem>> -> memref<32x128xf32, #tpu.memory_space<vmem>>
      %dma_wait3A_662 = arith.constant 0 : i32
      %dma_wait3A_663 = tpu.memref_slice %arg3[%dma_wait3A_662, %multiple_of3A_77] : memref<32x1000000xf32, #tpu.memory_space<hbm>> -> memref<32x128xf32, #tpu.memory_space<hbm>>
      tpu.wait_dma2 semaphore(%arg18 : memref<!tpu.dma_semaphore, #tpu.memory_space<semaphore_mem>>) src(%dma_wait3A_663 : memref<32x128xf32, #tpu.memory_space<hbm>>) dst(%dma_wait3A_661 : memref<32x128xf32, #tpu.memory_space<vmem>>)
      %dma_wait3A_664 = arith.constant 0 : i32
      %dma_wait3A_665 = arith.constant 128 : i32
      %dma_wait3A_666 = tpu.memref_slice %arg12[%dma_wait3A_664, %dma_wait3A_665] : memref<32x1024xf32, #tpu.memory_space<vmem>> -> memref<32x128xf32, #tpu.memory_space<vmem>>
      %dma_wait3A_667 = arith.constant 0 : i32
      %dma_wait3A_668 = tpu.memref_slice %arg2[%dma_wait3A_667, %multiple_of3A_126] : memref<32x1000000xf32, #tpu.memory_space<hbm>> -> memref<32x128xf32, #tpu.memory_space<hbm>>
      %dma_wait3A_669 = arith.constant 0 : i32
      %dma_wait3A_670 = arith.constant 128 : i32
      %dma_wait3A_671 = tpu.memref_slice %arg12[%dma_wait3A_669, %dma_wait3A_670] : memref<32x1024xf32, #tpu.memory_space<vmem>> -> memref<32x128xf32, #tpu.memory_space<vmem>>
      %dma_wait3A_672 = arith.constant 0 : i32
      %dma_wait3A_673 = tpu.memref_slice %arg2[%dma_wait3A_672, %multiple_of3A_126] : memref<32x1000000xf32, #tpu.memory_space<hbm>> -> memref<32x128xf32, #tpu.memory_space<hbm>>
      tpu.wait_dma2 semaphore(%arg18 : memref<!tpu.dma_semaphore, #tpu.memory_space<semaphore_mem>>) src(%dma_wait3A_673 : memref<32x128xf32, #tpu.memory_space<hbm>>) dst(%dma_wait3A_671 : memref<32x128xf32, #tpu.memory_space<vmem>>)
      %dma_wait3A_674 = arith.constant 0 : i32
      %dma_wait3A_675 = arith.constant 128 : i32
      %dma_wait3A_676 = tpu.memref_slice %arg13[%dma_wait3A_674, %dma_wait3A_675] : memref<32x1024xf32, #tpu.memory_space<vmem>> -> memref<32x128xf32, #tpu.memory_space<vmem>>
      %dma_wait3A_677 = arith.constant 0 : i32
      %dma_wait3A_678 = tpu.memref_slice %arg3[%dma_wait3A_677, %multiple_of3A_155] : memref<32x1000000xf32, #tpu.memory_space<hbm>> -> memref<32x128xf32, #tpu.memory_space<hbm>>
      %dma_wait3A_679 = arith.constant 0 : i32
      %dma_wait3A_680 = arith.constant 128 : i32
      %dma_wait3A_681 = tpu.memref_slice %arg13[%dma_wait3A_679, %dma_wait3A_680] : memref<32x1024xf32, #tpu.memory_space<vmem>> -> memref<32x128xf32, #tpu.memory_space<vmem>>
      %dma_wait3A_682 = arith.constant 0 : i32
      %dma_wait3A_683 = tpu.memref_slice %arg3[%dma_wait3A_682, %multiple_of3A_155] : memref<32x1000000xf32, #tpu.memory_space<hbm>> -> memref<32x128xf32, #tpu.memory_space<hbm>>
      tpu.wait_dma2 semaphore(%arg18 : memref<!tpu.dma_semaphore, #tpu.memory_space<semaphore_mem>>) src(%dma_wait3A_683 : memref<32x128xf32, #tpu.memory_space<hbm>>) dst(%dma_wait3A_681 : memref<32x128xf32, #tpu.memory_space<vmem>>)
      %dma_wait3A_684 = arith.constant 0 : i32
      %dma_wait3A_685 = arith.constant 256 : i32
      %dma_wait3A_686 = tpu.memref_slice %arg12[%dma_wait3A_684, %dma_wait3A_685] : memref<32x1024xf32, #tpu.memory_space<vmem>> -> memref<32x128xf32, #tpu.memory_space<vmem>>
      %dma_wait3A_687 = arith.constant 0 : i32
      %dma_wait3A_688 = tpu.memref_slice %arg2[%dma_wait3A_687, %multiple_of3A_204] : memref<32x1000000xf32, #tpu.memory_space<hbm>> -> memref<32x128xf32, #tpu.memory_space<hbm>>
      %dma_wait3A_689 = arith.constant 0 : i32
      %dma_wait3A_690 = arith.constant 256 : i32
      %dma_wait3A_691 = tpu.memref_slice %arg12[%dma_wait3A_689, %dma_wait3A_690] : memref<32x1024xf32, #tpu.memory_space<vmem>> -> memref<32x128xf32, #tpu.memory_space<vmem>>
      %dma_wait3A_692 = arith.constant 0 : i32
      %dma_wait3A_693 = tpu.memref_slice %arg2[%dma_wait3A_692, %multiple_of3A_204] : memref<32x1000000xf32, #tpu.memory_space<hbm>> -> memref<32x128xf32, #tpu.memory_space<hbm>>
      tpu.wait_dma2 semaphore(%arg18 : memref<!tpu.dma_semaphore, #tpu.memory_space<semaphore_mem>>) src(%dma_wait3A_693 : memref<32x128xf32, #tpu.memory_space<hbm>>) dst(%dma_wait3A_691 : memref<32x128xf32, #tpu.memory_space<vmem>>)
      %dma_wait3A_694 = arith.constant 0 : i32
      %dma_wait3A_695 = arith.constant 256 : i32
      %dma_wait3A_696 = tpu.memref_slice %arg13[%dma_wait3A_694, %dma_wait3A_695] : memref<32x1024xf32, #tpu.memory_space<vmem>> -> memref<32x128xf32, #tpu.memory_space<vmem>>
      %dma_wait3A_697 = arith.constant 0 : i32
      %dma_wait3A_698 = tpu.memref_slice %arg3[%dma_wait3A_697, %multiple_of3A_233] : memref<32x1000000xf32, #tpu.memory_space<hbm>> -> memref<32x128xf32, #tpu.memory_space<hbm>>
      %dma_wait3A_699 = arith.constant 0 : i32
      %dma_wait3A_700 = arith.constant 256 : i32
      %dma_wait3A_701 = tpu.memref_slice %arg13[%dma_wait3A_699, %dma_wait3A_700] : memref<32x1024xf32, #tpu.memory_space<vmem>> -> memref<32x128xf32, #tpu.memory_space<vmem>>
      %dma_wait3A_702 = arith.constant 0 : i32
      %dma_wait3A_703 = tpu.memref_slice %arg3[%dma_wait3A_702, %multiple_of3A_233] : memref<32x1000000xf32, #tpu.memory_space<hbm>> -> memref<32x128xf32, #tpu.memory_space<hbm>>
      tpu.wait_dma2 semaphore(%arg18 : memref<!tpu.dma_semaphore, #tpu.memory_space<semaphore_mem>>) src(%dma_wait3A_703 : memref<32x128xf32, #tpu.memory_space<hbm>>) dst(%dma_wait3A_701 : memref<32x128xf32, #tpu.memory_space<vmem>>)
      %dma_wait3A_704 = arith.constant 0 : i32
      %dma_wait3A_705 = arith.constant 384 : i32
      %dma_wait3A_706 = tpu.memref_slice %arg12[%dma_wait3A_704, %dma_wait3A_705] : memref<32x1024xf32, #tpu.memory_space<vmem>> -> memref<32x128xf32, #tpu.memory_space<vmem>>
      %dma_wait3A_707 = arith.constant 0 : i32
      %dma_wait3A_708 = tpu.memref_slice %arg2[%dma_wait3A_707, %multiple_of3A_282] : memref<32x1000000xf32, #tpu.memory_space<hbm>> -> memref<32x128xf32, #tpu.memory_space<hbm>>
      %dma_wait3A_709 = arith.constant 0 : i32
      %dma_wait3A_710 = arith.constant 384 : i32
      %dma_wait3A_711 = tpu.memref_slice %arg12[%dma_wait3A_709, %dma_wait3A_710] : memref<32x1024xf32, #tpu.memory_space<vmem>> -> memref<32x128xf32, #tpu.memory_space<vmem>>
      %dma_wait3A_712 = arith.constant 0 : i32
      %dma_wait3A_713 = tpu.memref_slice %arg2[%dma_wait3A_712, %multiple_of3A_282] : memref<32x1000000xf32, #tpu.memory_space<hbm>> -> memref<32x128xf32, #tpu.memory_space<hbm>>
      tpu.wait_dma2 semaphore(%arg18 : memref<!tpu.dma_semaphore, #tpu.memory_space<semaphore_mem>>) src(%dma_wait3A_713 : memref<32x128xf32, #tpu.memory_space<hbm>>) dst(%dma_wait3A_711 : memref<32x128xf32, #tpu.memory_space<vmem>>)
      %dma_wait3A_714 = arith.constant 0 : i32
      %dma_wait3A_715 = arith.constant 384 : i32
      %dma_wait3A_716 = tpu.memref_slice %arg13[%dma_wait3A_714, %dma_wait3A_715] : memref<32x1024xf32, #tpu.memory_space<vmem>> -> memref<32x128xf32, #tpu.memory_space<vmem>>
      %dma_wait3A_717 = arith.constant 0 : i32
      %dma_wait3A_718 = tpu.memref_slice %arg3[%dma_wait3A_717, %multiple_of3A_311] : memref<32x1000000xf32, #tpu.memory_space<hbm>> -> memref<32x128xf32, #tpu.memory_space<hbm>>
      %dma_wait3A_719 = arith.constant 0 : i32
      %dma_wait3A_720 = arith.constant 384 : i32
      %dma_wait3A_721 = tpu.memref_slice %arg13[%dma_wait3A_719, %dma_wait3A_720] : memref<32x1024xf32, #tpu.memory_space<vmem>> -> memref<32x128xf32, #tpu.memory_space<vmem>>
      %dma_wait3A_722 = arith.constant 0 : i32
      %dma_wait3A_723 = tpu.memref_slice %arg3[%dma_wait3A_722, %multiple_of3A_311] : memref<32x1000000xf32, #tpu.memory_space<hbm>> -> memref<32x128xf32, #tpu.memory_space<hbm>>
      tpu.wait_dma2 semaphore(%arg18 : memref<!tpu.dma_semaphore, #tpu.memory_space<semaphore_mem>>) src(%dma_wait3A_723 : memref<32x128xf32, #tpu.memory_space<hbm>>) dst(%dma_wait3A_721 : memref<32x128xf32, #tpu.memory_space<vmem>>)
      %dma_wait3A_724 = arith.constant 0 : i32
      %dma_wait3A_725 = arith.constant 512 : i32
      %dma_wait3A_726 = tpu.memref_slice %arg12[%dma_wait3A_724, %dma_wait3A_725] : memref<32x1024xf32, #tpu.memory_space<vmem>> -> memref<32x128xf32, #tpu.memory_space<vmem>>
      %dma_wait3A_727 = arith.constant 0 : i32
      %dma_wait3A_728 = tpu.memref_slice %arg2[%dma_wait3A_727, %multiple_of3A_360] : memref<32x1000000xf32, #tpu.memory_space<hbm>> -> memref<32x128xf32, #tpu.memory_space<hbm>>
      %dma_wait3A_729 = arith.constant 0 : i32
      %dma_wait3A_730 = arith.constant 512 : i32
      %dma_wait3A_731 = tpu.memref_slice %arg12[%dma_wait3A_729, %dma_wait3A_730] : memref<32x1024xf32, #tpu.memory_space<vmem>> -> memref<32x128xf32, #tpu.memory_space<vmem>>
      %dma_wait3A_732 = arith.constant 0 : i32
      %dma_wait3A_733 = tpu.memref_slice %arg2[%dma_wait3A_732, %multiple_of3A_360] : memref<32x1000000xf32, #tpu.memory_space<hbm>> -> memref<32x128xf32, #tpu.memory_space<hbm>>
      tpu.wait_dma2 semaphore(%arg18 : memref<!tpu.dma_semaphore, #tpu.memory_space<semaphore_mem>>) src(%dma_wait3A_733 : memref<32x128xf32, #tpu.memory_space<hbm>>) dst(%dma_wait3A_731 : memref<32x128xf32, #tpu.memory_space<vmem>>)
      %dma_wait3A_734 = arith.constant 0 : i32
      %dma_wait3A_735 = arith.constant 512 : i32
      %dma_wait3A_736 = tpu.memref_slice %arg13[%dma_wait3A_734, %dma_wait3A_735] : memref<32x1024xf32, #tpu.memory_space<vmem>> -> memref<32x128xf32, #tpu.memory_space<vmem>>
      %dma_wait3A_737 = arith.constant 0 : i32
      %dma_wait3A_738 = tpu.memref_slice %arg3[%dma_wait3A_737, %multiple_of3A_389] : memref<32x1000000xf32, #tpu.memory_space<hbm>> -> memref<32x128xf32, #tpu.memory_space<hbm>>
      %dma_wait3A_739 = arith.constant 0 : i32
      %dma_wait3A_740 = arith.constant 512 : i32
      %dma_wait3A_741 = tpu.memref_slice %arg13[%dma_wait3A_739, %dma_wait3A_740] : memref<32x1024xf32, #tpu.memory_space<vmem>> -> memref<32x128xf32, #tpu.memory_space<vmem>>
      %dma_wait3A_742 = arith.constant 0 : i32
      %dma_wait3A_743 = tpu.memref_slice %arg3[%dma_wait3A_742, %multiple_of3A_389] : memref<32x1000000xf32, #tpu.memory_space<hbm>> -> memref<32x128xf32, #tpu.memory_space<hbm>>
      tpu.wait_dma2 semaphore(%arg18 : memref<!tpu.dma_semaphore, #tpu.memory_space<semaphore_mem>>) src(%dma_wait3A_743 : memref<32x128xf32, #tpu.memory_space<hbm>>) dst(%dma_wait3A_741 : memref<32x128xf32, #tpu.memory_space<vmem>>)
      %dma_wait3A_744 = arith.constant 0 : i32
      %dma_wait3A_745 = arith.constant 640 : i32
      %dma_wait3A_746 = tpu.memref_slice %arg12[%dma_wait3A_744, %dma_wait3A_745] : memref<32x1024xf32, #tpu.memory_space<vmem>> -> memref<32x128xf32, #tpu.memory_space<vmem>>
      %dma_wait3A_747 = arith.constant 0 : i32
      %dma_wait3A_748 = tpu.memref_slice %arg2[%dma_wait3A_747, %multiple_of3A_438] : memref<32x1000000xf32, #tpu.memory_space<hbm>> -> memref<32x128xf32, #tpu.memory_space<hbm>>
      %dma_wait3A_749 = arith.constant 0 : i32
      %dma_wait3A_750 = arith.constant 640 : i32
      %dma_wait3A_751 = tpu.memref_slice %arg12[%dma_wait3A_749, %dma_wait3A_750] : memref<32x1024xf32, #tpu.memory_space<vmem>> -> memref<32x128xf32, #tpu.memory_space<vmem>>
      %dma_wait3A_752 = arith.constant 0 : i32
      %dma_wait3A_753 = tpu.memref_slice %arg2[%dma_wait3A_752, %multiple_of3A_438] : memref<32x1000000xf32, #tpu.memory_space<hbm>> -> memref<32x128xf32, #tpu.memory_space<hbm>>
      tpu.wait_dma2 semaphore(%arg18 : memref<!tpu.dma_semaphore, #tpu.memory_space<semaphore_mem>>) src(%dma_wait3A_753 : memref<32x128xf32, #tpu.memory_space<hbm>>) dst(%dma_wait3A_751 : memref<32x128xf32, #tpu.memory_space<vmem>>)
      %dma_wait3A_754 = arith.constant 0 : i32
      %dma_wait3A_755 = arith.constant 640 : i32
      %dma_wait3A_756 = tpu.memref_slice %arg13[%dma_wait3A_754, %dma_wait3A_755] : memref<32x1024xf32, #tpu.memory_space<vmem>> -> memref<32x128xf32, #tpu.memory_space<vmem>>
      %dma_wait3A_757 = arith.constant 0 : i32
      %dma_wait3A_758 = tpu.memref_slice %arg3[%dma_wait3A_757, %multiple_of3A_467] : memref<32x1000000xf32, #tpu.memory_space<hbm>> -> memref<32x128xf32, #tpu.memory_space<hbm>>
      %dma_wait3A_759 = arith.constant 0 : i32
      %dma_wait3A_760 = arith.constant 640 : i32
      %dma_wait3A_761 = tpu.memref_slice %arg13[%dma_wait3A_759, %dma_wait3A_760] : memref<32x1024xf32, #tpu.memory_space<vmem>> -> memref<32x128xf32, #tpu.memory_space<vmem>>
      %dma_wait3A_762 = arith.constant 0 : i32
      %dma_wait3A_763 = tpu.memref_slice %arg3[%dma_wait3A_762, %multiple_of3A_467] : memref<32x1000000xf32, #tpu.memory_space<hbm>> -> memref<32x128xf32, #tpu.memory_space<hbm>>
      tpu.wait_dma2 semaphore(%arg18 : memref<!tpu.dma_semaphore, #tpu.memory_space<semaphore_mem>>) src(%dma_wait3A_763 : memref<32x128xf32, #tpu.memory_space<hbm>>) dst(%dma_wait3A_761 : memref<32x128xf32, #tpu.memory_space<vmem>>)
      %dma_wait3A_764 = arith.constant 0 : i32
      %dma_wait3A_765 = arith.constant 768 : i32
      %dma_wait3A_766 = tpu.memref_slice %arg12[%dma_wait3A_764, %dma_wait3A_765] : memref<32x1024xf32, #tpu.memory_space<vmem>> -> memref<32x128xf32, #tpu.memory_space<vmem>>
      %dma_wait3A_767 = arith.constant 0 : i32
      %dma_wait3A_768 = tpu.memref_slice %arg2[%dma_wait3A_767, %multiple_of3A_516] : memref<32x1000000xf32, #tpu.memory_space<hbm>> -> memref<32x128xf32, #tpu.memory_space<hbm>>
      %dma_wait3A_769 = arith.constant 0 : i32
      %dma_wait3A_770 = arith.constant 768 : i32
      %dma_wait3A_771 = tpu.memref_slice %arg12[%dma_wait3A_769, %dma_wait3A_770] : memref<32x1024xf32, #tpu.memory_space<vmem>> -> memref<32x128xf32, #tpu.memory_space<vmem>>
      %dma_wait3A_772 = arith.constant 0 : i32
      %dma_wait3A_773 = tpu.memref_slice %arg2[%dma_wait3A_772, %multiple_of3A_516] : memref<32x1000000xf32, #tpu.memory_space<hbm>> -> memref<32x128xf32, #tpu.memory_space<hbm>>
      tpu.wait_dma2 semaphore(%arg18 : memref<!tpu.dma_semaphore, #tpu.memory_space<semaphore_mem>>) src(%dma_wait3A_773 : memref<32x128xf32, #tpu.memory_space<hbm>>) dst(%dma_wait3A_771 : memref<32x128xf32, #tpu.memory_space<vmem>>)
      %dma_wait3A_774 = arith.constant 0 : i32
      %dma_wait3A_775 = arith.constant 768 : i32
      %dma_wait3A_776 = tpu.memref_slice %arg13[%dma_wait3A_774, %dma_wait3A_775] : memref<32x1024xf32, #tpu.memory_space<vmem>> -> memref<32x128xf32, #tpu.memory_space<vmem>>
      %dma_wait3A_777 = arith.constant 0 : i32
      %dma_wait3A_778 = tpu.memref_slice %arg3[%dma_wait3A_777, %multiple_of3A_545] : memref<32x1000000xf32, #tpu.memory_space<hbm>> -> memref<32x128xf32, #tpu.memory_space<hbm>>
      %dma_wait3A_779 = arith.constant 0 : i32
      %dma_wait3A_780 = arith.constant 768 : i32
      %dma_wait3A_781 = tpu.memref_slice %arg13[%dma_wait3A_779, %dma_wait3A_780] : memref<32x1024xf32, #tpu.memory_space<vmem>> -> memref<32x128xf32, #tpu.memory_space<vmem>>
      %dma_wait3A_782 = arith.constant 0 : i32
      %dma_wait3A_783 = tpu.memref_slice %arg3[%dma_wait3A_782, %multiple_of3A_545] : memref<32x1000000xf32, #tpu.memory_space<hbm>> -> memref<32x128xf32, #tpu.memory_space<hbm>>
      tpu.wait_dma2 semaphore(%arg18 : memref<!tpu.dma_semaphore, #tpu.memory_space<semaphore_mem>>) src(%dma_wait3A_783 : memref<32x128xf32, #tpu.memory_space<hbm>>) dst(%dma_wait3A_781 : memref<32x128xf32, #tpu.memory_space<vmem>>)
      %dma_wait3A_784 = arith.constant 0 : i32
      %dma_wait3A_785 = arith.constant 896 : i32
      %dma_wait3A_786 = tpu.memref_slice %arg12[%dma_wait3A_784, %dma_wait3A_785] : memref<32x1024xf32, #tpu.memory_space<vmem>> -> memref<32x128xf32, #tpu.memory_space<vmem>>
      %dma_wait3A_787 = arith.constant 0 : i32
      %dma_wait3A_788 = tpu.memref_slice %arg2[%dma_wait3A_787, %multiple_of3A_594] : memref<32x1000000xf32, #tpu.memory_space<hbm>> -> memref<32x128xf32, #tpu.memory_space<hbm>>
      %dma_wait3A_789 = arith.constant 0 : i32
      %dma_wait3A_790 = arith.constant 896 : i32
      %dma_wait3A_791 = tpu.memref_slice %arg12[%dma_wait3A_789, %dma_wait3A_790] : memref<32x1024xf32, #tpu.memory_space<vmem>> -> memref<32x128xf32, #tpu.memory_space<vmem>>
      %dma_wait3A_792 = arith.constant 0 : i32
      %dma_wait3A_793 = tpu.memref_slice %arg2[%dma_wait3A_792, %multiple_of3A_594] : memref<32x1000000xf32, #tpu.memory_space<hbm>> -> memref<32x128xf32, #tpu.memory_space<hbm>>
      tpu.wait_dma2 semaphore(%arg18 : memref<!tpu.dma_semaphore, #tpu.memory_space<semaphore_mem>>) src(%dma_wait3A_793 : memref<32x128xf32, #tpu.memory_space<hbm>>) dst(%dma_wait3A_791 : memref<32x128xf32, #tpu.memory_space<vmem>>)
      %dma_wait3A_794 = arith.constant 0 : i32
      %dma_wait3A_795 = arith.constant 896 : i32
      %dma_wait3A_796 = tpu.memref_slice %arg13[%dma_wait3A_794, %dma_wait3A_795] : memref<32x1024xf32, #tpu.memory_space<vmem>> -> memref<32x128xf32, #tpu.memory_space<vmem>>
      %dma_wait3A_797 = arith.constant 0 : i32
      %dma_wait3A_798 = tpu.memref_slice %arg3[%dma_wait3A_797, %multiple_of3A_623] : memref<32x1000000xf32, #tpu.memory_space<hbm>> -> memref<32x128xf32, #tpu.memory_space<hbm>>
      %dma_wait3A_799 = arith.constant 0 : i32
      %dma_wait3A_800 = arith.constant 896 : i32
      %dma_wait3A_801 = tpu.memref_slice %arg13[%dma_wait3A_799, %dma_wait3A_800] : memref<32x1024xf32, #tpu.memory_space<vmem>> -> memref<32x128xf32, #tpu.memory_space<vmem>>
      %dma_wait3A_802 = arith.constant 0 : i32
      %dma_wait3A_803 = tpu.memref_slice %arg3[%dma_wait3A_802, %multiple_of3A_623] : memref<32x1000000xf32, #tpu.memory_space<hbm>> -> memref<32x128xf32, #tpu.memory_space<hbm>>
      tpu.wait_dma2 semaphore(%arg18 : memref<!tpu.dma_semaphore, #tpu.memory_space<semaphore_mem>>) src(%dma_wait3A_803 : memref<32x128xf32, #tpu.memory_space<hbm>>) dst(%dma_wait3A_801 : memref<32x128xf32, #tpu.memory_space<vmem>>)
      %mul3A_804 = arith.constant 128 : i32
      %mul3A_805 = vector.broadcast %mul3A_804 : i32 to vector<16xi32>
      %mul3A_806 = arith.muli %rem3A_15, %mul3A_805 : vector<16xi32>
      %rem3A_807 = arith.constant 128 : i32
      %rem3A_808 = vector.broadcast %rem3A_807 : i32 to vector<16xi32>
      %rem3A_809 = arith.remsi %get3A_25, %rem3A_808 : vector<16xi32>
      %add3A_810 = arith.addi %mul3A_806, %rem3A_809 : vector<16xi32>
      %mul3A_811 = arith.constant 128 : i32
      %mul3A_812 = vector.broadcast %mul3A_811 : i32 to vector<16xi32>
      %mul3A_813 = arith.muli %rem3A_15, %mul3A_812 : vector<16xi32>
      %rem3A_814 = arith.constant 128 : i32
      %rem3A_815 = vector.broadcast %rem3A_814 : i32 to vector<16xi32>
      %rem3A_816 = arith.remsi %get3A_29, %rem3A_815 : vector<16xi32>
      %add3A_817 = arith.addi %mul3A_813, %rem3A_816 : vector<16xi32>
      %mul3A_818 = arith.constant 8 : i32
      %mul3A_819 = arith.muli %scan3A_21, %mul3A_818 : i32
      %get3A_820 = arith.index_cast %mul3A_819 : i32 to index
      %get3A_821 = tpu.vector_load %arg14[%get3A_820] {strides = array<i32>} : memref<528xf32, #tpu.memory_space<vmem>>, vector<16xf32>,
      %mul3A_822 = arith.constant 8 : i32
      %mul3A_823 = arith.muli %scan3A_21, %mul3A_822 : i32
      %get3A_824 = arith.index_cast %mul3A_823 : i32 to index
      %get3A_825 = tpu.vector_load %arg15[%get3A_824] {strides = array<i32>} : memref<528xf32, #tpu.memory_space<vmem>>, vector<16xf32>,
      %add3A_826 = arith.addf %get3A_821, %get3A_825 : vector<16xf32>
      %broadcast_in_dim3A_827 = arith.constant 0 : i32
      %broadcast_in_dim3A_828 = vector.broadcast %broadcast_in_dim3A_827 : i32 to vector<16xi32>
      %gather3A = tpu.vector_load_idx %arg12[%broadcast_in_dim3A_828, %add3A_810] : memref<32x1024xf32, #tpu.memory_space<vmem>>[vector<16xi32>, vector<16xi32>], vector<16xf32>,
      %gather3A_829 = tpu.vector_load_idx %arg13[%broadcast_in_dim3A_828, %add3A_817] : memref<32x1024xf32, #tpu.memory_space<vmem>>[vector<16xi32>, vector<16xi32>], vector<16xf32>,
      %mul3A_830 = arith.mulf %gather3A, %gather3A_829 : vector<16xf32>
      %add3A_831 = arith.addf %add3A_826, %mul3A_830 : vector<16xf32>
      %broadcast_in_dim3A_832 = arith.constant 1 : i32
      %broadcast_in_dim3A_833 = vector.broadcast %broadcast_in_dim3A_832 : i32 to vector<16xi32>
      %gather3A_834 = tpu.vector_load_idx %arg12[%broadcast_in_dim3A_833, %add3A_810] : memref<32x1024xf32, #tpu.memory_space<vmem>>[vector<16xi32>, vector<16xi32>], vector<16xf32>,
      %gather3A_835 = tpu.vector_load_idx %arg13[%broadcast_in_dim3A_833, %add3A_817] : memref<32x1024xf32, #tpu.memory_space<vmem>>[vector<16xi32>, vector<16xi32>], vector<16xf32>,
      %mul3A_836 = arith.mulf %gather3A_834, %gather3A_835 : vector<16xf32>
      %add3A_837 = arith.addf %add3A_831, %mul3A_836 : vector<16xf32>
      %broadcast_in_dim3A_838 = arith.constant 2 : i32
      %broadcast_in_dim3A_839 = vector.broadcast %broadcast_in_dim3A_838 : i32 to vector<16xi32>
      %gather3A_840 = tpu.vector_load_idx %arg12[%broadcast_in_dim3A_839, %add3A_810] : memref<32x1024xf32, #tpu.memory_space<vmem>>[vector<16xi32>, vector<16xi32>], vector<16xf32>,
      %gather3A_841 = tpu.vector_load_idx %arg13[%broadcast_in_dim3A_839, %add3A_817] : memref<32x1024xf32, #tpu.memory_space<vmem>>[vector<16xi32>, vector<16xi32>], vector<16xf32>,
      %mul3A_842 = arith.mulf %gather3A_840, %gather3A_841 : vector<16xf32>
      %add3A_843 = arith.addf %add3A_837, %mul3A_842 : vector<16xf32>
      %broadcast_in_dim3A_844 = arith.constant 3 : i32
      %broadcast_in_dim3A_845 = vector.broadcast %broadcast_in_dim3A_844 : i32 to vector<16xi32>
      %gather3A_846 = tpu.vector_load_idx %arg12[%broadcast_in_dim3A_845, %add3A_810] : memref<32x1024xf32, #tpu.memory_space<vmem>>[vector<16xi32>, vector<16xi32>], vector<16xf32>,
      %gather3A_847 = tpu.vector_load_idx %arg13[%broadcast_in_dim3A_845, %add3A_817] : memref<32x1024xf32, #tpu.memory_space<vmem>>[vector<16xi32>, vector<16xi32>], vector<16xf32>,
      %mul3A_848 = arith.mulf %gather3A_846, %gather3A_847 : vector<16xf32>
      %add3A_849 = arith.addf %add3A_843, %mul3A_848 : vector<16xf32>
      %broadcast_in_dim3A_850 = arith.constant 4 : i32
      %broadcast_in_dim3A_851 = vector.broadcast %broadcast_in_dim3A_850 : i32 to vector<16xi32>
      %gather3A_852 = tpu.vector_load_idx %arg12[%broadcast_in_dim3A_851, %add3A_810] : memref<32x1024xf32, #tpu.memory_space<vmem>>[vector<16xi32>, vector<16xi32>], vector<16xf32>,
      %gather3A_853 = tpu.vector_load_idx %arg13[%broadcast_in_dim3A_851, %add3A_817] : memref<32x1024xf32, #tpu.memory_space<vmem>>[vector<16xi32>, vector<16xi32>], vector<16xf32>,
      %mul3A_854 = arith.mulf %gather3A_852, %gather3A_853 : vector<16xf32>
      %add3A_855 = arith.addf %add3A_849, %mul3A_854 : vector<16xf32>
      %broadcast_in_dim3A_856 = arith.constant 5 : i32
      %broadcast_in_dim3A_857 = vector.broadcast %broadcast_in_dim3A_856 : i32 to vector<16xi32>
      %gather3A_858 = tpu.vector_load_idx %arg12[%broadcast_in_dim3A_857, %add3A_810] : memref<32x1024xf32, #tpu.memory_space<vmem>>[vector<16xi32>, vector<16xi32>], vector<16xf32>,
      %gather3A_859 = tpu.vector_load_idx %arg13[%broadcast_in_dim3A_857, %add3A_817] : memref<32x1024xf32, #tpu.memory_space<vmem>>[vector<16xi32>, vector<16xi32>], vector<16xf32>,
      %mul3A_860 = arith.mulf %gather3A_858, %gather3A_859 : vector<16xf32>
      %add3A_861 = arith.addf %add3A_855, %mul3A_860 : vector<16xf32>
      %broadcast_in_dim3A_862 = arith.constant 6 : i32
      %broadcast_in_dim3A_863 = vector.broadcast %broadcast_in_dim3A_862 : i32 to vector<16xi32>
      %gather3A_864 = tpu.vector_load_idx %arg12[%broadcast_in_dim3A_863, %add3A_810] : memref<32x1024xf32, #tpu.memory_space<vmem>>[vector<16xi32>, vector<16xi32>], vector<16xf32>,
      %gather3A_865 = tpu.vector_load_idx %arg13[%broadcast_in_dim3A_863, %add3A_817] : memref<32x1024xf32, #tpu.memory_space<vmem>>[vector<16xi32>, vector<16xi32>], vector<16xf32>,
      %mul3A_866 = arith.mulf %gather3A_864, %gather3A_865 : vector<16xf32>
      %add3A_867 = arith.addf %add3A_861, %mul3A_866 : vector<16xf32>
      %broadcast_in_dim3A_868 = arith.constant 7 : i32
      %broadcast_in_dim3A_869 = vector.broadcast %broadcast_in_dim3A_868 : i32 to vector<16xi32>
      %gather3A_870 = tpu.vector_load_idx %arg12[%broadcast_in_dim3A_869, %add3A_810] : memref<32x1024xf32, #tpu.memory_space<vmem>>[vector<16xi32>, vector<16xi32>], vector<16xf32>,
      %gather3A_871 = tpu.vector_load_idx %arg13[%broadcast_in_dim3A_869, %add3A_817] : memref<32x1024xf32, #tpu.memory_space<vmem>>[vector<16xi32>, vector<16xi32>], vector<16xf32>,
      %mul3A_872 = arith.mulf %gather3A_870, %gather3A_871 : vector<16xf32>
      %add3A_873 = arith.addf %add3A_867, %mul3A_872 : vector<16xf32>
      %broadcast_in_dim3A_874 = arith.constant 8 : i32
      %broadcast_in_dim3A_875 = vector.broadcast %broadcast_in_dim3A_874 : i32 to vector<16xi32>
      %gather3A_876 = tpu.vector_load_idx %arg12[%broadcast_in_dim3A_875, %add3A_810] : memref<32x1024xf32, #tpu.memory_space<vmem>>[vector<16xi32>, vector<16xi32>], vector<16xf32>,
      %gather3A_877 = tpu.vector_load_idx %arg13[%broadcast_in_dim3A_875, %add3A_817] : memref<32x1024xf32, #tpu.memory_space<vmem>>[vector<16xi32>, vector<16xi32>], vector<16xf32>,
      %mul3A_878 = arith.mulf %gather3A_876, %gather3A_877 : vector<16xf32>
      %add3A_879 = arith.addf %add3A_873, %mul3A_878 : vector<16xf32>
      %broadcast_in_dim3A_880 = arith.constant 9 : i32
      %broadcast_in_dim3A_881 = vector.broadcast %broadcast_in_dim3A_880 : i32 to vector<16xi32>
      %gather3A_882 = tpu.vector_load_idx %arg12[%broadcast_in_dim3A_881, %add3A_810] : memref<32x1024xf32, #tpu.memory_space<vmem>>[vector<16xi32>, vector<16xi32>], vector<16xf32>,
      %gather3A_883 = tpu.vector_load_idx %arg13[%broadcast_in_dim3A_881, %add3A_817] : memref<32x1024xf32, #tpu.memory_space<vmem>>[vector<16xi32>, vector<16xi32>], vector<16xf32>,
      %mul3A_884 = arith.mulf %gather3A_882, %gather3A_883 : vector<16xf32>
      %add3A_885 = arith.addf %add3A_879, %mul3A_884 : vector<16xf32>
      %broadcast_in_dim3A_886 = arith.constant 10 : i32
      %broadcast_in_dim3A_887 = vector.broadcast %broadcast_in_dim3A_886 : i32 to vector<16xi32>
      %gather3A_888 = tpu.vector_load_idx %arg12[%broadcast_in_dim3A_887, %add3A_810] : memref<32x1024xf32, #tpu.memory_space<vmem>>[vector<16xi32>, vector<16xi32>], vector<16xf32>,
      %gather3A_889 = tpu.vector_load_idx %arg13[%broadcast_in_dim3A_887, %add3A_817] : memref<32x1024xf32, #tpu.memory_space<vmem>>[vector<16xi32>, vector<16xi32>], vector<16xf32>,
      %mul3A_890 = arith.mulf %gather3A_888, %gather3A_889 : vector<16xf32>
      %add3A_891 = arith.addf %add3A_885, %mul3A_890 : vector<16xf32>
      %broadcast_in_dim3A_892 = arith.constant 11 : i32
      %broadcast_in_dim3A_893 = vector.broadcast %broadcast_in_dim3A_892 : i32 to vector<16xi32>
      %gather3A_894 = tpu.vector_load_idx %arg12[%broadcast_in_dim3A_893, %add3A_810] : memref<32x1024xf32, #tpu.memory_space<vmem>>[vector<16xi32>, vector<16xi32>], vector<16xf32>,
      %gather3A_895 = tpu.vector_load_idx %arg13[%broadcast_in_dim3A_893, %add3A_817] : memref<32x1024xf32, #tpu.memory_space<vmem>>[vector<16xi32>, vector<16xi32>], vector<16xf32>,
      %mul3A_896 = arith.mulf %gather3A_894, %gather3A_895 : vector<16xf32>
      %add3A_897 = arith.addf %add3A_891, %mul3A_896 : vector<16xf32>
      %broadcast_in_dim3A_898 = arith.constant 12 : i32
      %broadcast_in_dim3A_899 = vector.broadcast %broadcast_in_dim3A_898 : i32 to vector<16xi32>
      %gather3A_900 = tpu.vector_load_idx %arg12[%broadcast_in_dim3A_899, %add3A_810] : memref<32x1024xf32, #tpu.memory_space<vmem>>[vector<16xi32>, vector<16xi32>], vector<16xf32>,
      %gather3A_901 = tpu.vector_load_idx %arg13[%broadcast_in_dim3A_899, %add3A_817] : memref<32x1024xf32, #tpu.memory_space<vmem>>[vector<16xi32>, vector<16xi32>], vector<16xf32>,
      %mul3A_902 = arith.mulf %gather3A_900, %gather3A_901 : vector<16xf32>
      %add3A_903 = arith.addf %add3A_897, %mul3A_902 : vector<16xf32>
      %broadcast_in_dim3A_904 = arith.constant 13 : i32
      %broadcast_in_dim3A_905 = vector.broadcast %broadcast_in_dim3A_904 : i32 to vector<16xi32>
      %gather3A_906 = tpu.vector_load_idx %arg12[%broadcast_in_dim3A_905, %add3A_810] : memref<32x1024xf32, #tpu.memory_space<vmem>>[vector<16xi32>, vector<16xi32>], vector<16xf32>,
      %gather3A_907 = tpu.vector_load_idx %arg13[%broadcast_in_dim3A_905, %add3A_817] : memref<32x1024xf32, #tpu.memory_space<vmem>>[vector<16xi32>, vector<16xi32>], vector<16xf32>,
      %mul3A_908 = arith.mulf %gather3A_906, %gather3A_907 : vector<16xf32>
      %add3A_909 = arith.addf %add3A_903, %mul3A_908 : vector<16xf32>
      %broadcast_in_dim3A_910 = arith.constant 14 : i32
      %broadcast_in_dim3A_911 = vector.broadcast %broadcast_in_dim3A_910 : i32 to vector<16xi32>
      %gather3A_912 = tpu.vector_load_idx %arg12[%broadcast_in_dim3A_911, %add3A_810] : memref<32x1024xf32, #tpu.memory_space<vmem>>[vector<16xi32>, vector<16xi32>], vector<16xf32>,
      %gather3A_913 = tpu.vector_load_idx %arg13[%broadcast_in_dim3A_911, %add3A_817] : memref<32x1024xf32, #tpu.memory_space<vmem>>[vector<16xi32>, vector<16xi32>], vector<16xf32>,
      %mul3A_914 = arith.mulf %gather3A_912, %gather3A_913 : vector<16xf32>
      %add3A_915 = arith.addf %add3A_909, %mul3A_914 : vector<16xf32>
      %broadcast_in_dim3A_916 = arith.constant 15 : i32
      %broadcast_in_dim3A_917 = vector.broadcast %broadcast_in_dim3A_916 : i32 to vector<16xi32>
      %gather3A_918 = tpu.vector_load_idx %arg12[%broadcast_in_dim3A_917, %add3A_810] : memref<32x1024xf32, #tpu.memory_space<vmem>>[vector<16xi32>, vector<16xi32>], vector<16xf32>,
      %gather3A_919 = tpu.vector_load_idx %arg13[%broadcast_in_dim3A_917, %add3A_817] : memref<32x1024xf32, #tpu.memory_space<vmem>>[vector<16xi32>, vector<16xi32>], vector<16xf32>,
      %mul3A_920 = arith.mulf %gather3A_918, %gather3A_919 : vector<16xf32>
      %add3A_921 = arith.addf %add3A_915, %mul3A_920 : vector<16xf32>
      %broadcast_in_dim3A_922 = arith.constant 16 : i32
      %broadcast_in_dim3A_923 = vector.broadcast %broadcast_in_dim3A_922 : i32 to vector<16xi32>
      %gather3A_924 = tpu.vector_load_idx %arg12[%broadcast_in_dim3A_923, %add3A_810] : memref<32x1024xf32, #tpu.memory_space<vmem>>[vector<16xi32>, vector<16xi32>], vector<16xf32>,
      %gather3A_925 = tpu.vector_load_idx %arg13[%broadcast_in_dim3A_923, %add3A_817] : memref<32x1024xf32, #tpu.memory_space<vmem>>[vector<16xi32>, vector<16xi32>], vector<16xf32>,
      %mul3A_926 = arith.mulf %gather3A_924, %gather3A_925 : vector<16xf32>
      %add3A_927 = arith.addf %add3A_921, %mul3A_926 : vector<16xf32>
      %broadcast_in_dim3A_928 = arith.constant 17 : i32
      %broadcast_in_dim3A_929 = vector.broadcast %broadcast_in_dim3A_928 : i32 to vector<16xi32>
      %gather3A_930 = tpu.vector_load_idx %arg12[%broadcast_in_dim3A_929, %add3A_810] : memref<32x1024xf32, #tpu.memory_space<vmem>>[vector<16xi32>, vector<16xi32>], vector<16xf32>,
      %gather3A_931 = tpu.vector_load_idx %arg13[%broadcast_in_dim3A_929, %add3A_817] : memref<32x1024xf32, #tpu.memory_space<vmem>>[vector<16xi32>, vector<16xi32>], vector<16xf32>,
      %mul3A_932 = arith.mulf %gather3A_930, %gather3A_931 : vector<16xf32>
      %add3A_933 = arith.addf %add3A_927, %mul3A_932 : vector<16xf32>
      %broadcast_in_dim3A_934 = arith.constant 18 : i32
      %broadcast_in_dim3A_935 = vector.broadcast %broadcast_in_dim3A_934 : i32 to vector<16xi32>
      %gather3A_936 = tpu.vector_load_idx %arg12[%broadcast_in_dim3A_935, %add3A_810] : memref<32x1024xf32, #tpu.memory_space<vmem>>[vector<16xi32>, vector<16xi32>], vector<16xf32>,
      %gather3A_937 = tpu.vector_load_idx %arg13[%broadcast_in_dim3A_935, %add3A_817] : memref<32x1024xf32, #tpu.memory_space<vmem>>[vector<16xi32>, vector<16xi32>], vector<16xf32>,
      %mul3A_938 = arith.mulf %gather3A_936, %gather3A_937 : vector<16xf32>
      %add3A_939 = arith.addf %add3A_933, %mul3A_938 : vector<16xf32>
      %broadcast_in_dim3A_940 = arith.constant 19 : i32
      %broadcast_in_dim3A_941 = vector.broadcast %broadcast_in_dim3A_940 : i32 to vector<16xi32>
      %gather3A_942 = tpu.vector_load_idx %arg12[%broadcast_in_dim3A_941, %add3A_810] : memref<32x1024xf32, #tpu.memory_space<vmem>>[vector<16xi32>, vector<16xi32>], vector<16xf32>,
      %gather3A_943 = tpu.vector_load_idx %arg13[%broadcast_in_dim3A_941, %add3A_817] : memref<32x1024xf32, #tpu.memory_space<vmem>>[vector<16xi32>, vector<16xi32>], vector<16xf32>,
      %mul3A_944 = arith.mulf %gather3A_942, %gather3A_943 : vector<16xf32>
      %add3A_945 = arith.addf %add3A_939, %mul3A_944 : vector<16xf32>
      %broadcast_in_dim3A_946 = arith.constant 20 : i32
      %broadcast_in_dim3A_947 = vector.broadcast %broadcast_in_dim3A_946 : i32 to vector<16xi32>
      %gather3A_948 = tpu.vector_load_idx %arg12[%broadcast_in_dim3A_947, %add3A_810] : memref<32x1024xf32, #tpu.memory_space<vmem>>[vector<16xi32>, vector<16xi32>], vector<16xf32>,
      %gather3A_949 = tpu.vector_load_idx %arg13[%broadcast_in_dim3A_947, %add3A_817] : memref<32x1024xf32, #tpu.memory_space<vmem>>[vector<16xi32>, vector<16xi32>], vector<16xf32>,
      %mul3A_950 = arith.mulf %gather3A_948, %gather3A_949 : vector<16xf32>
      %add3A_951 = arith.addf %add3A_945, %mul3A_950 : vector<16xf32>
      %broadcast_in_dim3A_952 = arith.constant 21 : i32
      %broadcast_in_dim3A_953 = vector.broadcast %broadcast_in_dim3A_952 : i32 to vector<16xi32>
      %gather3A_954 = tpu.vector_load_idx %arg12[%broadcast_in_dim3A_953, %add3A_810] : memref<32x1024xf32, #tpu.memory_space<vmem>>[vector<16xi32>, vector<16xi32>], vector<16xf32>,
      %gather3A_955 = tpu.vector_load_idx %arg13[%broadcast_in_dim3A_953, %add3A_817] : memref<32x1024xf32, #tpu.memory_space<vmem>>[vector<16xi32>, vector<16xi32>], vector<16xf32>,
      %mul3A_956 = arith.mulf %gather3A_954, %gather3A_955 : vector<16xf32>
      %add3A_957 = arith.addf %add3A_951, %mul3A_956 : vector<16xf32>
      %broadcast_in_dim3A_958 = arith.constant 22 : i32
      %broadcast_in_dim3A_959 = vector.broadcast %broadcast_in_dim3A_958 : i32 to vector<16xi32>
      %gather3A_960 = tpu.vector_load_idx %arg12[%broadcast_in_dim3A_959, %add3A_810] : memref<32x1024xf32, #tpu.memory_space<vmem>>[vector<16xi32>, vector<16xi32>], vector<16xf32>,
      %gather3A_961 = tpu.vector_load_idx %arg13[%broadcast_in_dim3A_959, %add3A_817] : memref<32x1024xf32, #tpu.memory_space<vmem>>[vector<16xi32>, vector<16xi32>], vector<16xf32>,
      %mul3A_962 = arith.mulf %gather3A_960, %gather3A_961 : vector<16xf32>
      %add3A_963 = arith.addf %add3A_957, %mul3A_962 : vector<16xf32>
      %broadcast_in_dim3A_964 = arith.constant 23 : i32
      %broadcast_in_dim3A_965 = vector.broadcast %broadcast_in_dim3A_964 : i32 to vector<16xi32>
      %gather3A_966 = tpu.vector_load_idx %arg12[%broadcast_in_dim3A_965, %add3A_810] : memref<32x1024xf32, #tpu.memory_space<vmem>>[vector<16xi32>, vector<16xi32>], vector<16xf32>,
      %gather3A_967 = tpu.vector_load_idx %arg13[%broadcast_in_dim3A_965, %add3A_817] : memref<32x1024xf32, #tpu.memory_space<vmem>>[vector<16xi32>, vector<16xi32>], vector<16xf32>,
      %mul3A_968 = arith.mulf %gather3A_966, %gather3A_967 : vector<16xf32>
      %add3A_969 = arith.addf %add3A_963, %mul3A_968 : vector<16xf32>
      %broadcast_in_dim3A_970 = arith.constant 24 : i32
      %broadcast_in_dim3A_971 = vector.broadcast %broadcast_in_dim3A_970 : i32 to vector<16xi32>
      %gather3A_972 = tpu.vector_load_idx %arg12[%broadcast_in_dim3A_971, %add3A_810] : memref<32x1024xf32, #tpu.memory_space<vmem>>[vector<16xi32>, vector<16xi32>], vector<16xf32>,
      %gather3A_973 = tpu.vector_load_idx %arg13[%broadcast_in_dim3A_971, %add3A_817] : memref<32x1024xf32, #tpu.memory_space<vmem>>[vector<16xi32>, vector<16xi32>], vector<16xf32>,
      %mul3A_974 = arith.mulf %gather3A_972, %gather3A_973 : vector<16xf32>
      %add3A_975 = arith.addf %add3A_969, %mul3A_974 : vector<16xf32>
      %broadcast_in_dim3A_976 = arith.constant 25 : i32
      %broadcast_in_dim3A_977 = vector.broadcast %broadcast_in_dim3A_976 : i32 to vector<16xi32>
      %gather3A_978 = tpu.vector_load_idx %arg12[%broadcast_in_dim3A_977, %add3A_810] : memref<32x1024xf32, #tpu.memory_space<vmem>>[vector<16xi32>, vector<16xi32>], vector<16xf32>,
      %gather3A_979 = tpu.vector_load_idx %arg13[%broadcast_in_dim3A_977, %add3A_817] : memref<32x1024xf32, #tpu.memory_space<vmem>>[vector<16xi32>, vector<16xi32>], vector<16xf32>,
      %mul3A_980 = arith.mulf %gather3A_978, %gather3A_979 : vector<16xf32>
      %add3A_981 = arith.addf %add3A_975, %mul3A_980 : vector<16xf32>
      %broadcast_in_dim3A_982 = arith.constant 26 : i32
      %broadcast_in_dim3A_983 = vector.broadcast %broadcast_in_dim3A_982 : i32 to vector<16xi32>
      %gather3A_984 = tpu.vector_load_idx %arg12[%broadcast_in_dim3A_983, %add3A_810] : memref<32x1024xf32, #tpu.memory_space<vmem>>[vector<16xi32>, vector<16xi32>], vector<16xf32>,
      %gather3A_985 = tpu.vector_load_idx %arg13[%broadcast_in_dim3A_983, %add3A_817] : memref<32x1024xf32, #tpu.memory_space<vmem>>[vector<16xi32>, vector<16xi32>], vector<16xf32>,
      %mul3A_986 = arith.mulf %gather3A_984, %gather3A_985 : vector<16xf32>
      %add3A_987 = arith.addf %add3A_981, %mul3A_986 : vector<16xf32>
      %broadcast_in_dim3A_988 = arith.constant 27 : i32
      %broadcast_in_dim3A_989 = vector.broadcast %broadcast_in_dim3A_988 : i32 to vector<16xi32>
      %gather3A_990 = tpu.vector_load_idx %arg12[%broadcast_in_dim3A_989, %add3A_810] : memref<32x1024xf32, #tpu.memory_space<vmem>>[vector<16xi32>, vector<16xi32>], vector<16xf32>,
      %gather3A_991 = tpu.vector_load_idx %arg13[%broadcast_in_dim3A_989, %add3A_817] : memref<32x1024xf32, #tpu.memory_space<vmem>>[vector<16xi32>, vector<16xi32>], vector<16xf32>,
      %mul3A_992 = arith.mulf %gather3A_990, %gather3A_991 : vector<16xf32>
      %add3A_993 = arith.addf %add3A_987, %mul3A_992 : vector<16xf32>
      %broadcast_in_dim3A_994 = arith.constant 28 : i32
      %broadcast_in_dim3A_995 = vector.broadcast %broadcast_in_dim3A_994 : i32 to vector<16xi32>
      %gather3A_996 = tpu.vector_load_idx %arg12[%broadcast_in_dim3A_995, %add3A_810] : memref<32x1024xf32, #tpu.memory_space<vmem>>[vector<16xi32>, vector<16xi32>], vector<16xf32>,
      %gather3A_997 = tpu.vector_load_idx %arg13[%broadcast_in_dim3A_995, %add3A_817] : memref<32x1024xf32, #tpu.memory_space<vmem>>[vector<16xi32>, vector<16xi32>], vector<16xf32>,
      %mul3A_998 = arith.mulf %gather3A_996, %gather3A_997 : vector<16xf32>
      %add3A_999 = arith.addf %add3A_993, %mul3A_998 : vector<16xf32>
      %broadcast_in_dim3A_1000 = arith.constant 29 : i32
      %broadcast_in_dim3A_1001 = vector.broadcast %broadcast_in_dim3A_1000 : i32 to vector<16xi32>
      %gather3A_1002 = tpu.vector_load_idx %arg12[%broadcast_in_dim3A_1001, %add3A_810] : memref<32x1024xf32, #tpu.memory_space<vmem>>[vector<16xi32>, vector<16xi32>], vector<16xf32>,
      %gather3A_1003 = tpu.vector_load_idx %arg13[%broadcast_in_dim3A_1001, %add3A_817] : memref<32x1024xf32, #tpu.memory_space<vmem>>[vector<16xi32>, vector<16xi32>], vector<16xf32>,
      %mul3A_1004 = arith.mulf %gather3A_1002, %gather3A_1003 : vector<16xf32>
      %add3A_1005 = arith.addf %add3A_999, %mul3A_1004 : vector<16xf32>
      %broadcast_in_dim3A_1006 = arith.constant 30 : i32
      %broadcast_in_dim3A_1007 = vector.broadcast %broadcast_in_dim3A_1006 : i32 to vector<16xi32>
      %gather3A_1008 = tpu.vector_load_idx %arg12[%broadcast_in_dim3A_1007, %add3A_810] : memref<32x1024xf32, #tpu.memory_space<vmem>>[vector<16xi32>, vector<16xi32>], vector<16xf32>,
      %gather3A_1009 = tpu.vector_load_idx %arg13[%broadcast_in_dim3A_1007, %add3A_817] : memref<32x1024xf32, #tpu.memory_space<vmem>>[vector<16xi32>, vector<16xi32>], vector<16xf32>,
      %mul3A_1010 = arith.mulf %gather3A_1008, %gather3A_1009 : vector<16xf32>
      %add3A_1011 = arith.addf %add3A_1005, %mul3A_1010 : vector<16xf32>
      %broadcast_in_dim3A_1012 = arith.constant 31 : i32
      %broadcast_in_dim3A_1013 = vector.broadcast %broadcast_in_dim3A_1012 : i32 to vector<16xi32>
      %gather3A_1014 = tpu.vector_load_idx %arg12[%broadcast_in_dim3A_1013, %add3A_810] : memref<32x1024xf32, #tpu.memory_space<vmem>>[vector<16xi32>, vector<16xi32>], vector<16xf32>,
      %gather3A_1015 = tpu.vector_load_idx %arg13[%broadcast_in_dim3A_1013, %add3A_817] : memref<32x1024xf32, #tpu.memory_space<vmem>>[vector<16xi32>, vector<16xi32>], vector<16xf32>,
      %mul3A_1016 = arith.mulf %gather3A_1014, %gather3A_1015 : vector<16xf32>
      %add3A_1017 = arith.addf %add3A_1011, %mul3A_1016 : vector<16xf32>
      %add3A_1018 = arith.addf %add3A_1017, %get3A_13 : vector<16xf32>
      %mul3A_1019 = arith.constant 8 : i32
      %mul3A_1020 = arith.muli %scan3A_21, %mul3A_1019 : i32
      %swap3A_1021 = arith.index_cast %mul3A_1020 : i32 to index
      %swap3A_1022 = tpu.vector_load %arg17[%swap3A_1021] {strides = array<i32>} : memref<528xf32, #tpu.memory_space<vmem>>, vector<16xf32>,
      tpu.vector_store %arg17[%swap3A_1021], %add3A_1018 {strides = array<i32>} : memref<528xf32, #tpu.memory_space<vmem>>, vector<16xf32>,
    }
    %scan3A_20 = arith.constant 64 : i32
    "tpu.region"() ({
      %run_scoped3A = tpu.sem_alloc : memref<!tpu.dma_semaphore, #tpu.memory_space<semaphore_mem>>
      %dma_start3A_21 = arith.constant 0 : i32
      %dma_start3A_22 = tpu.memref_slice %arg17[%dma_start3A_21] : memref<528xf32, #tpu.memory_space<vmem>> -> memref<512xf32, #tpu.memory_space<vmem>>
      %dma_start3A_23 = tpu.memref_slice %arg9[%mul3A_2] : memref<16384xf32, #tpu.memory_space<hbm>> -> memref<512xf32, #tpu.memory_space<hbm>>
      %dma_start3A_24 = tpu.memref_slice %arg9[%mul3A_2] : memref<16384xf32, #tpu.memory_space<hbm>> -> memref<512xf32, #tpu.memory_space<hbm>>
      %dma_start3A_25 = arith.constant 0 : i32
      %dma_start3A_26 = tpu.memref_slice %arg17[%dma_start3A_25] : memref<528xf32, #tpu.memory_space<vmem>> -> memref<512xf32, #tpu.memory_space<vmem>>
      tpu.enqueue_dma source(%dma_start3A_26 : memref<512xf32, #tpu.memory_space<vmem>>) target(%dma_start3A_24 : memref<512xf32, #tpu.memory_space<hbm>>) target_semaphore(%run_scoped3A : memref<!tpu.dma_semaphore, #tpu.memory_space<semaphore_mem>>)
      %dma_wait3A_27 = arith.constant 0 : i32
      %dma_wait3A_28 = tpu.memref_slice %arg17[%dma_wait3A_27] : memref<528xf32, #tpu.memory_space<vmem>> -> memref<512xf32, #tpu.memory_space<vmem>>
      %dma_wait3A_29 = tpu.memref_slice %arg9[%mul3A_2] : memref<16384xf32, #tpu.memory_space<hbm>> -> memref<512xf32, #tpu.memory_space<hbm>>
      %dma_wait3A_30 = tpu.memref_slice %arg9[%mul3A_2] : memref<16384xf32, #tpu.memory_space<hbm>> -> memref<512xf32, #tpu.memory_space<hbm>>
      %dma_wait3A_31 = arith.constant 0 : i32
      %dma_wait3A_32 = tpu.memref_slice %arg17[%dma_wait3A_31] : memref<528xf32, #tpu.memory_space<vmem>> -> memref<512xf32, #tpu.memory_space<vmem>>
      tpu.wait_dma2 semaphore(%run_scoped3A : memref<!tpu.dma_semaphore, #tpu.memory_space<semaphore_mem>>) src(%dma_wait3A_32 : memref<512xf32, #tpu.memory_space<vmem>>) dst(%dma_wait3A_30 : memref<512xf32, #tpu.memory_space<hbm>>)
      tpu.yield
    }) : () -> ()
    return
  }
}

</mosaic_0001>

<sc_bundles>
// kernel: kernel.3.cloned.1.call-start
scs
__scs_entry_jumppad:
0x0: {  	(pc) =	sbr.rel $0x88, $3  }
0x1: {  	(tag) =	ssettag $0x0;
	lr =	simm.s32 $0x1  }
0x2: {  	[smem:$0x3F9A] =	sst lr;
	_ =	strace $0xD0000000  }
0x3: {  	_ = 	snop  }
0x4: {  	_ = 	snop  }
0x5: {  	_ = 	snop  }
0x6: {  	_ = 	snop  }
0x7: {  	_ = 	snop  }
__scs_overlays_trampoline_lowered:
0x8: {  	[smem:$0x3FA9] =	sst s0  }
0x9: {  	[smem:$0x3FAA] =	sst s1  }
0xa: {  	[smem:$0x3FAB] =	sst s2  }
0xb: {  	[smem:$0x3FAC] =	sst s3  }
0xc: {  	[smem:$0x3FAD] =	sst s4  }
0xd: {  	[smem:$0x3FAE] =	sst s5  }
0xe: {  	[smem:$0x3FAF] =	sst s6  }
0xf: {  	[smem:$0x3FB0] =	sst s7  }
0x10: {  	[smem:$0x3FB1] =	sst s8  }
0x11: {  	[smem:$0x3FB2] =	sst s9;
	s0 =	simm.s32 @!p0 $0x0  }
0x12: {  	s1 =	sld [smem:$0x3F98];
	s0 =	simm.s32 @p0 $0x1  }
0x13: {  	[smem:$0x3FB3] =	sst s0;
	s0 =	simm.s32 @!p1 $0x0  }
0x14: {  	s2 =	sld [smem:$0x3F97];
	s0 =	simm.s32 @p1 $0x1  }
0x15: {  	[smem:$0x3FB4] =	sst s0;
	s0 =	simm.s32 @!p2 $0x0  }
0x16: {  	s3 =	sld [smem:$0x3FDB];
	s0 =	simm.s32 @p2 $0x1  }
0x17: {  	s4 =	simm.s32 $0x1BF5;
	[smem:$0x3FB6] =	sst s0  }
0x18: {  	s0 =	sld [smem:$0x3F99];
	_ =	swait.ge [sflag:s4], $0x0  }
0x19: {  	s7 =	sld [smem:$0x3F9A]  }
0x1a: {  	s8 =	sadd.s32 $0xFFFFE003, lr  }
0x1b: {  	s9 =	sadd.s32 $0xFFFFFEF7, lr;
	s5 =	simm.s32 $0xFFFFFFFF;
	p2 =	slt.u32 s8, $0xFFFFF086  }
0x1c: {  	p1 =	slt.u32 s9, $0xF7A;
	s5 =	simm.s32 @!p2 $0x0  }
0x1d: {  	s5 =	simm.s32 @p1 $0x1;
	p0 =	seq.s32 s7, s2  }
0x1e: {  	s7 =	smul.u32 @!p0 $0xF7A, s2;
	p2 =	seq.s32 @!p0 s5, $0x0  }
0x1f: {  	s9 =	smul.u32 $0xF7A, s1;
	s8 =	simm.s32 @!p0 $0x1BF5;
	p2 =	por !p2, p0  }
0x20: {  	[sflag:s8] =	ssyncset.s32 @!p0 $0xFFFFF086;
	s6 =	sadd.s32 @!p0 s3, s7;
	s7 =	simm.s32 @!p0 $0x108  }
0x21: {  	s3 =	sadd.s32 s3, s9;
	s6 =	sadd.s32 @!p0 $0x88, s6;
	s7 =	simm.s32 @p2 $0x1082  }
0x22: {  	[simem:s7], [sflag:s8] =	dma.local @!p0 [hbm:s6], $0xF7A  }
0x23: {  	s9 =	sor.u32 $0xD0000000, s2;
	s6 =	simm.s32 $0x108;
	_ =	swait.ge @!p0 [sflag:s8], $0x0  }
0x24: {  	s3 =	sadd.s32 $0x88, s3;
	s6 =	simm.s32 @!p1 $0x1082;
	[sflag:s4] =	ssyncset.s32 $0xFFFFF086  }
0x25: {  	[simem:s6], [sflag:s4] =	dma.local [hbm:s3], $0xF7A  }
0x26: {  	[smem:$0x3F9A] =	sst s1;
	(tag) =	ssettag s2;
	_ =	strace s9  }
0x27: {  	s1 =	sld [smem:$0x3FAA]  }
0x28: {  	s2 =	sld [smem:$0x3FAB]  }
0x29: {  	s4 =	sld [smem:$0x3FAD]  }
0x2a: {  	p0 =	seq.s32 s5, $0x0;
	s5 =	sld [smem:$0x3FAE]  }
0x2b: {  	s6 =	sld [smem:$0x3FAF]  }
0x2c: {  	s7 =	sld [smem:$0x3FB0]  }
0x2d: {  	s3 =	simm.s32 $0x108;
	s8 =	sld [smem:$0x3FB1]  }
0x2e: {  	s3 =	simm.s32 @!p0 $0x1082;
	s9 =	sld [smem:$0x3FB2]  }
0x2f: {  	lr =	sadd.s32 s0, s3;
	s0 =	sld [smem:$0x3FA9]  }
0x30: {  	s3 =	sld [smem:$0x3FAC]  }
0x31: {  	[smem:$0x3FB5] =	sst s10  }
0x32: {  	s10 =	sld [smem:$0x3FB3];
	_ =	sdelay $0x3  }
0x33: {  	p0 =	seq.s32 s10, $0x1;
	s10 =	sld [smem:$0x3FB5];
	_ =	sdelay $0x3  }
0x34: {  	[smem:$0x3FB5] =	sst s10  }
0x35: {  	s10 =	sld [smem:$0x3FB4];
	_ =	sdelay $0x3  }
0x36: {  	p1 =	seq.s32 s10, $0x1;
	s10 =	sld [smem:$0x3FB5];
	_ =	sdelay $0x3  }
0x37: {  	[smem:$0x3FB5] =	sst s10  }
0x38: {  	s10 =	sld [smem:$0x3FB6]  }
0x39: {  	_ = 	snop;
	(pc) =	sbr.ind lr, $3  }
0x3a: {  	_ = 	snop  }
0x3b: {  	_ = 	snop  }
0x3c: {  	p2 =	seq.s32 s10, $0x1;
	s10 =	sld [smem:$0x3FB5]  }
0x3d: {  	_ =	shalt  }
0x3e: {  	_ =	shalt  }
0x3f: {  	_ =	shalt  }
0x40: {  	_ =	shalt  }
0x41: {  	_ =	shalt  }
0x42: {  	_ =	shalt  }
0x43: {  	_ =	shalt  }
0x44: {  	_ =	shalt  }
0x45: {  	_ =	shalt  }
0x46: {  	_ =	shalt  }
0x47: {  	_ =	shalt  }
0x48: {  	_ =	shalt  }
0x49: {  	_ =	shalt  }
0x4a: {  	_ =	shalt  }
0x4b: {  	_ =	shalt  }
0x4c: {  	_ =	shalt  }
0x4d: {  	_ =	shalt  }
0x4e: {  	_ =	shalt  }
0x4f: {  	_ =	shalt  }
0x50: {  	_ =	shalt  }
0x51: {  	_ =	shalt  }
0x52: {  	_ =	shalt  }
0x53: {  	_ =	shalt  }
0x54: {  	_ =	shalt  }
0x55: {  	_ =	shalt  }
0x56: {  	_ =	shalt  }
0x57: {  	_ =	shalt  }
0x58: {  	_ =	shalt  }
0x59: {  	_ =	shalt  }
0x5a: {  	_ =	shalt  }
0x5b: {  	_ =	shalt  }
0x5c: {  	_ =	shalt  }
0x5d: {  	_ =	shalt  }
0x5e: {  	_ =	shalt  }
0x5f: {  	_ =	shalt  }
0x60: {  	_ =	shalt  }
0x61: {  	_ =	shalt  }
0x62: {  	_ =	shalt  }
0x63: {  	_ =	shalt  }
0x64: {  	_ =	shalt  }
0x65: {  	_ =	shalt  }
0x66: {  	_ =	shalt  }
0x67: {  	_ =	shalt  }
0x68: {  	_ =	shalt  }
0x69: {  	_ =	shalt  }
0x6a: {  	_ =	shalt  }
0x6b: {  	_ =	shalt  }
0x6c: {  	_ =	shalt  }
0x6d: {  	_ =	shalt  }
0x6e: {  	_ =	shalt  }
0x6f: {  	_ =	shalt  }
0x70: {  	_ =	shalt  }
0x71: {  	_ =	shalt  }
0x72: {  	_ =	shalt  }
0x73: {  	_ =	shalt  }
0x74: {  	_ =	shalt  }
0x75: {  	_ =	shalt  }
0x76: {  	_ =	shalt  }
0x77: {  	_ =	shalt  }
0x78: {  	_ =	shalt  }
0x79: {  	_ =	shalt  }
0x7a: {  	_ =	shalt  }
0x7b: {  	_ =	shalt  }
0x7c: {  	_ =	shalt  }
0x7d: {  	_ =	shalt  }
0x7e: {  	_ =	shalt  }
0x7f: {  	_ =	shalt  }
0x80: {  	_ =	shalt  }
0x81: {  	_ =	shalt  }
0x82: {  	_ =	shalt  }
0x83: {  	_ =	shalt  }
0x84: {  	_ =	shalt  }
0x85: {  	_ =	shalt  }
0x86: {  	_ =	shalt  }
0x87: {  	_ =	shalt  }
.Lfunc_end0:
.L_simem_size_0:
called_computation_lowered:
.L_overlay_start_0:
0x88: {  	s2 =	sld [smem:$0x3FD9]  }
0x89: {  	s3 =	sld [smem:$0x3FFE];
	_ =	sdelay $0x1  }
0x8a: {  	s1 =	srdreg.scid  }
0x8b: {  	s0 =	sand.u32 $0x1, s1  }
0x8c: {  	s17 =	sshll.u32 s0, $0xA;
	s2 =	sadd.s32 s3, s2  }
0x8d: {  	s2 =	sadd.s32 s2, s17  }
0x8e: {  	[smem:$0x3FC1] =	sst s2  }
0x8f: {  	_ = 	snop  }
0x90: {  	s2 =	sld [smem:$0x3FC9]  }
0x91: {  	s18 =	sld [smem:$0x3FC8]  }
0x92: {  	s4 =	sld [smem:$0x3FC4]  }
0x93: {  	s5 =	sld [smem:$0x3FC3]  }
0x94: {  	s6 =	sld [smem:$0x3FD0];
	(tm) =	ssettm $0x1  }
0x95: {  	s7 =	sld [smem:$0x3FFB];
	_ =	sdelay $0x3  }
0x96: {  	_ =	strace s7  }
0x97: {  	s7 =	sld [smem:$0x3FFC];
	_ =	sdelay $0x3  }
0x98: {  	_ =	strace s7  }
0x99: {  	s7 =	sld [smem:$0x3FFD];
	_ =	sdelay $0x3  }
0x9a: {  	_ =	strace s7  }
0x9b: {  	_ =	strace $0x8FFFFFFF  }
0x9c: {  	s19 =	sld [smem:$0x3FDB];
	_ =	sdelay $0x1  }
0x9d: {  	s8 =	simm.s32 $_scs_section_size  }
0x9e: {  	s9 =	simm.s32 $_size__tile_overlayer_lowered;
	s10 =	simm.s32 $_tile_overlayer_lowered  }
0x9f: {  	s22 =	simm.s32 $0x1BFF;
	s21 =	sshll.u32 s10, $0x1;
	s7 =	sadd.s32 s8, s19  }
0xa0: {  	s11 =	simm.s32 $0x0;
	s20 =	sshll.u32 s9, $0x1;
	s9 =	sadd.s32 s21, s7  }
0xa1: {  	[timem:s11], [sflag:s22] =	dma.local [hbm:s9], s20  }
0xa2: {  	_ =	swait.ge [sflag:s22], s20  }
0xa3: {  	s8 =	ssub.s32 $0x0, s20;
	[sflag:s22] =	ssyncset.done $0x0  }
0xa4: {  	[sflag:s22] =	ssyncadd.s32 s8;
	_ =	sdelay $0x1  }
0xa5: {  	s23 =	simm.s32 $0x1B8B  }
0xa6: {  	_ =	swait.ge [sflag:s23], $0x1  }
0xa7: {  	[sflag:s23] =	ssyncset.done $0x0  }
0xa8: {  	s25 =	simm.s32 $0x1B8E;
	s24 =	sld [smem:$0x3FFE];
	[sflag:s23] =	ssyncadd.s32 $0xFFFFFFFF  }
0xa9: {  	s26 =	simm.s32 $execute0_lowered;
	[smem:$0x3FD2] =	sst s25  }
0xaa: {  	s9 =	sshll.u32 s26, $0x1;
	_ =	strace $0x80000046;
	[dreg:$0x1] =	wrdreg $0xFFFFFFFF  }
0xab: {  	s28 =	simm.s32 $_size_execute0_lowered;
	s7 =	sadd.s32 s7, s9;
	[dreg:$0x0] =	wrdreg $0x0  }
0xac: {  	s9 =	sshll.u32 s28, $0x1;
	[dreg:$0x2] =	wrdreg s7  }
0xad: {  	[dreg:$0x3] =	wrdreg s9  }
0xae: {  	[dreg:$0x4] =	wrdreg $0xC0  }
0xaf: {  	_ =	task [dreg:s11], $0x5FFFF  }
0xb0: {  	[dreg:$0x1] =	wrdreg $0xFFFFFFFF  }
0xb1: {  	[dreg:$0x0] =	wrdreg $0x60  }
0xb2: {  	[dreg:$0x2] =	wrdreg s2  }
0xb3: {  	[dreg:$0x3] =	wrdreg s18  }
0xb4: {  	[dreg:$0x4] =	wrdreg s24  }
0xb5: {  	[dreg:$0x5] =	wrdreg s4  }
0xb6: {  	[dreg:$0x6] =	wrdreg s5  }
0xb7: {  	[dreg:$0x7] =	wrdreg s6  }
0xb8: {  	[dreg:$0x8] =	wrdreg $0x9  }
0xb9: {  	_ =	task.clear_ibuf [dreg:s11], $0x9FFFF;
	_ =	strace $0x90000046  }
0xba: {  	s29 =	simm.s32 $0x9;
	_ =	strace $0x80000048  }
0xbb: {  	_ =	swait.ge [sflag:s29], $0x1  }
0xbc: {  	[sflag:s29] =	ssyncadd.s32 $0xFFFFFFFF  }
0xbd: {  	_ =	strace $0x90000048  }
0xbe: {  	_ =	sfence  }
0xbf: {  	s30 =	sld [smem:$0x0];
	_ =	sdelay $0x2  }
0xc0: {  	s31 =	sshll.u32 s1, $0xD;
	s1 =	sshrl.u32 s1, $0x2  }
0xc1: {  	s3 =	sand.u32 $0x4000, s31;
	s1 =	sadd.s32 s1, s30  }
0xc2: {  	s0 =	sor.u32 s3, s0;
	s1 =	sshll.u32 s1, $0x11  }
0xc3: {  	s0 =	sor.u32 s1, s0  }
0xc4: {  	s0 =	sadd.s32 $0x8F2B, s0  }
0xc5: {  	[sflag:s0] =	ssyncadd.remote.s32 $0x1  }
0xc6: {  	_ =	sfence.sel $0xFFFF  }
0xc7: {  	[dreg:$0x0] =	wrdreg $0xFFFFFFFF;
	(pc) =	sbr.abs _section_cstart, $3  }
0xc8: {  	[dreg:$0x1] =	wrdreg $0xFFFFFFFF  }
0xc9: {  	_ =	task.clear_ibuf [dreg:s11], $0x2FFFF;
	_ =	strace $0x9FFFFFFF  }
0xca: {  	(tm) =	ssettm $0x7FFFFFFF  }
0xcb: {  	_ =	shalt  }
tec
execute0_lowered:
.L_overlay_start_1:
0x0: {  	(tag) =	ssettag $0x1  }
0x1: {  	s1 =	rddreg [dreg:$0x0]  }
0x2: {  	s2 =	rddreg [dreg:$0x1]  }
0x3: {  	s3 =	rddreg [dreg:$0x2]  }
0x4: {  	s8 =	rddreg [dreg:$0x3]  }
0x5: {  	s9 =	rddreg [dreg:$0x4]  }
0x6: {  	s10 =	rddreg [dreg:$0x5]  }
0x7: {  	s0 =	rddreg [dreg:$0x6];
	s4 =	simm.s32 $0x0  }
0x8: {  	s5 =	simm.s32 $0x2500;
	[smem:$0x7FF] =	sst s4  }
0x9: {  	s23 =	simm.s32 $0x4500;
	_ =	strace $0x80000047;
	[dreg:$0x7] =	wrdreg s5  }
0xa: {  	s24 =	simm.s32 $0x6500;
	[dreg:$0x8] =	wrdreg s23  }
0xb: {  	s25 =	simm.s32 $0xA500;
	[dreg:$0x9] =	wrdreg s24  }
0xc: {  	s26 =	simm.s32 $0xC500;
	[dreg:$0xa] =	wrdreg s25  }
0xd: {  	s28 =	simm.s32 $0xE500;
	[dreg:$0xb] =	wrdreg s26  }
0xe: {  	s29 =	simm.s32 $0x900;
	[dreg:$0xc] =	wrdreg s28  }
0xf: {  	s30 =	simm.s32 $0x2900;
	[dreg:$0xd] =	wrdreg s29  }
0x10: {  	s31 =	simm.s32 $0x4900;
	[dreg:$0xe] =	wrdreg s30  }
0x11: {  	s6 =	simm.s32 $0x6900;
	[dreg:$0xf] =	wrdreg s31  }
0x12: {  	s7 =	simm.s32 $0x8900;
	[dreg:$0x10] =	wrdreg s6  }
0x13: {  	s11 =	simm.s32 $0xA900;
	[dreg:$0x11] =	wrdreg s7  }
0x14: {  	s12 =	simm.s32 $0xC900;
	[dreg:$0x12] =	wrdreg s11  }
0x15: {  	s13 =	simm.s32 $0xE900;
	[dreg:$0x13] =	wrdreg s12  }
0x16: {  	s14 =	simm.s32 $0xD00;
	[dreg:$0x14] =	wrdreg s13  }
0x17: {  	s15 =	simm.s32 $0x2D00;
	[dreg:$0x15] =	wrdreg s14  }
0x18: {  	s16 =	simm.s32 $0x4D00;
	[dreg:$0x16] =	wrdreg s15  }
0x19: {  	s17 =	simm.s32 $0x6D00;
	[dreg:$0x17] =	wrdreg s16  }
0x1a: {  	s18 =	simm.s32 $0x8D00;
	[dreg:$0x18] =	wrdreg s17  }
0x1b: {  	s19 =	simm.s32 $0xAD00;
	[dreg:$0x19] =	wrdreg s18  }
0x1c: {  	s20 =	simm.s32 $0xCD00;
	[dreg:$0x1a] =	wrdreg s19  }
0x1d: {  	s21 =	simm.s32 $0xED00;
	[dreg:$0x1b] =	wrdreg s20  }
0x1e: {  	s22 =	simm.s32 $0x1100;
	[dreg:$0x1c] =	wrdreg s21  }
0x1f: {  	[dreg:$0x1d] =	wrdreg s22;
	s23 =	simm.s32 $0x3100  }
0x20: {  	s24 =	simm.s32 $0x5100;
	[dreg:$0x1e] =	wrdreg s23  }
0x21: {  	s25 =	simm.s32 $0x7100;
	[dreg:$0x1f] =	wrdreg s24  }
0x22: {  	s26 =	simm.s32 $0x9100;
	[smem:$0x7D9] =	sst s25  }
0x23: {  	s28 =	simm.s32 $0xB100;
	[smem:$0x7DA] =	sst s26  }
0x24: {  	s29 =	simm.s32 $0xD100;
	[smem:$0x7DB] =	sst s28  }
0x25: {  	s30 =	simm.s32 $0xF100;
	[smem:$0x7DC] =	sst s29  }
0x26: {  	s31 =	simm.s32 $0x1500;
	[smem:$0x7DD] =	sst s30  }
0x27: {  	s6 =	simm.s32 $0x3500;
	[smem:$0x7DE] =	sst s31  }
0x28: {  	s7 =	simm.s32 $0x5500;
	[smem:$0x7DF] =	sst s6  }
0x29: {  	s11 =	simm.s32 $0x7500;
	[smem:$0x7E0] =	sst s7  }
0x2a: {  	s12 =	simm.s32 $0x9500;
	[smem:$0x7E1] =	sst s11  }
0x2b: {  	s13 =	simm.s32 $0xB500;
	[smem:$0x7E2] =	sst s12  }
0x2c: {  	s14 =	simm.s32 $0xD500;
	[smem:$0x7E3] =	sst s13  }
0x2d: {  	s15 =	simm.s32 $0x3900;
	[smem:$0x7E4] =	sst s14  }
0x2e: {  	s16 =	simm.s32 $0x7900;
	[smem:$0x7E7] =	sst s15  }
0x2f: {  	s17 =	simm.s32 $0x9900;
	[smem:$0x7E9] =	sst s16  }
0x30: {  	s18 =	simm.s32 $0xB900;
	[smem:$0x7EA] =	sst s17  }
0x31: {  	s19 =	simm.s32 $0xD900;
	[smem:$0x7EB] =	sst s18  }
0x32: {  	s20 =	simm.s32 $0xF900;
	[smem:$0x7EC] =	sst s19  }
0x33: {  	s22 =	simm.s32 $0x1D00;
	[smem:$0x7ED] =	sst s20  }
0x34: {  	s6 =	simm.s32 $0xF500;
	[smem:$0x7EE] =	sst s22  }
0x35: {  	s7 =	simm.s32 $0x1900;
	[smem:$0x7E5] =	sst s6  }
0x36: {  	s12 =	simm.s32 $0x5900;
	[smem:$0x7E6] =	sst s7  }
0x37: {  	s23 =	simm.s32 $0x3D00;
	[smem:$0x7E8] =	sst s12  }
0x38: {  	s24 =	simm.s32 $0x5D00;
	[smem:$0x7EF] =	sst s23  }
0x39: {  	s25 =	simm.s32 $0x7D00;
	[smem:$0x7F0] =	sst s24  }
0x3a: {  	s5 =	sadd.s32 $0x1EA00, s3;
	s26 =	simm.s32 $0x9D00;
	[smem:$0x7F1] =	sst s25  }
0x3b: {  	s11 =	srdreg.scid;
	s28 =	simm.s32 $0xBD00;
	[smem:$0x7F2] =	sst s26  }
0x3c: {  	s29 =	simm.s32 $0xDD00;
	s30 =	simm.s32 $0xFD00;
	[smem:$0x7F3] =	sst s28  }
0x3d: {  	s15 =	simm.s32 $0x2100;
	s16 =	simm.s32 $0x4100;
	[smem:$0x7F4] =	sst s29  }
0x3e: {  	s17 =	simm.s32 $0x6100;
	s18 =	simm.s32 $0x8100;
	[smem:$0x7F5] =	sst s30  }
0x3f: {  	s19 =	simm.s32 $0xA100;
	s20 =	simm.s32 $0xC100;
	[smem:$0x7F6] =	sst s15  }
0x40: {  	s31 =	simm.s32 $0x10100;
	s22 =	simm.s32 $0x0;
	[smem:$0x7F7] =	sst s16  }
0x41: {  	s6 =	sadd.s32 $0x3D400, s3;
	s7 =	stileid.u32;
	[smem:$0x7F8] =	sst s17  }
0x42: {  	s11 =	sand.u32 $0x1, s11;
	s12 =	simm.s32 $0x2;
	[smem:$0x7F9] =	sst s18  }
0x43: {  	s15 =	simm.s32 $0x210;
	s16 =	simm.s32 $0x10500;
	[smem:$0x7FA] =	sst s19  }
0x44: {  	s17 =	simm.s32 $0x10780;
	s18 =	simm.s32 $0x1;
	[smem:$0x7FB] =	sst s20  }
0x45: {  	s19 =	simm.s32 $0x500;
	s20 =	simm.s32 $0x8500;
	[smem:$0x7FD] =	sst s31  }
0x46: {  	s13 =	ssub.s32 $0x2, s11;
	s21 =	sshll.u32 s7, $0x7;
	s11 =	sshll.u32 s11, $0x6  }
0x47: {  	s14 =	sshrl.u32 s13, $0x1;
	s11 =	sor.u32 s11, s21;
	s21 =	simm.s32 $0xE100  }
0x48: {  	v0 =	vlaneseq.u32;
	s13 =	ssub.s32 s13, s14;
	s8 =	sadd.s32 s8, s11;
	s9 =	sadd.s32 s9, s11  }
0x49: {  	v1 =	vand.u32 $0x7, v0;
	s10 =	sadd.s32 s10, s11;
	s14 =	simm.s32 $0x10A00;
	[smem:$0x7FC] =	sst s21  }
0x4a: {  	v0 =	vimm.s32 $0x0;
	v1 =	vmul.u32 $0x400, v1;
	s21 =	simm.s32 $0x10A80;
	s11 =	smax.u32 s13, $0x1;
	s13 =	simm.s32 $0x280  }
.LBB2_1:
0x4b: {  	[tilespmem:s4], [sflag:$0x2] =	stream.linear.gather [hbm4b:s8+s4], $0x200, $0x38;
	[tilespmem:$0x10D00] =	vst v63  }
0x4c: {  	_ =	swait.ge [sflag:s12], $0x200  }
0x4d: {  	[sflag:s12] =	ssyncset.done $0x0  }
0x4e: {  	[sflag:s12] =	ssyncadd.s32 $0xFFFFFE00  }
0x4f: {  	[tilespmem:s13], [sflag:$0x2] =	stream.linear.gather [hbm4b:s9+s4], $0x200, $0x38;
	[tilespmem:$0x10D00] =	vst v63  }
0x50: {  	_ =	swait.ge [sflag:s12], $0x200  }
0x51: {  	[sflag:s12] =	ssyncset.done $0x0  }
0x52: {  	[sflag:s12] =	ssyncadd.s32 $0xFFFFFE00  }
0x53: {  	[tilespmem:s14], [sflag:$0x2] =	stream.linear.gather [hbm4b:s6+s4], $0x80, $0x38;
	[tilespmem:$0x10D00] =	vst v63  }
0x54: {  	_ =	swait.ge [sflag:s12], $0x80  }
0x55: {  	[sflag:s12] =	ssyncset.done $0x0  }
0x56: {  	[sflag:s12] =	ssyncadd.s32 $0xFFFFFF80  }
0x57: {  	[tilespmem:$0x200] =	vst v0  }
0x58: {  	[tilespmem:$0x480] =	vst v0  }
0x59: {  	[tilespmem:s16], [sflag:$0x1] =	stream.indirect.gather [hbm4b:s3+s15], $0x1, s4, s15, $0xb8;
	[tilespmem:$0x10D00] =	vst v63  }
0x5a: {  	_ = 	snop  }
0x5b: {  	[tilespmem:s17], [sflag:$0x1] =	stream.indirect.gather [hbm4b:s5+s15], $0x1, s13, s15, $0xb8;
	[tilespmem:$0x10D00] =	vst v63  }
0x5c: {  	_ =	swait.ge [sflag:s18], $0x210  }
0x5d: {  	[sflag:s18] =	ssyncset.done $0x0  }
0x5e: {  	[sflag:s18] =	ssyncadd.s32 $0xFFFFFDF0  }
0x5f: {  	_ =	swait.ge [sflag:s18], $0x210  }
0x60: {  	[sflag:s18] =	ssyncset.done $0x0  }
0x61: {  	[sflag:s18] =	ssyncadd.s32 $0xFFFFFDF0  }
0x62: {  	s23 =	simm.s32 $0x0;
	v2 =	vld [tilespmem:$0x10A00]  }
.LBB2_2:
0x63: {  	s24 =	sshra.s32 s23, $0x2  }
0x64: {  	v4 =	vld [tilespmem:s24+$0x0];
	_ =	sdelay $0x4  }
0x65: {  	(v2sf) =	vpush v4, $0x0;
	_ =	sdelay $0xb  }
0x66: {  	v3 =	vld [tilespmem:s24+$0x280];
	_ =	sdelay $0x2  }
0x67: {  	s25 =	spop (v2sf)  }
0x68: {  	s26 =	sand.u32 $0x7F, s25  }
0x69: {  	(v2sf) =	vpush v3, $0x0;
	s28 =	sshra.s32 s25, $0x1F;
	p0 =	slt.s32 s25, $0x1;
	p1 =	sne.s32 s26, $0x0  }
0x6a: {  	s29 =	sshrl.u32 s28, $0x19;
	p0 =	por !p0, !p1  }
0x6b: {  	s26 =	simm.s32 $0x1;
	s25 =	sadd.s32 s29, s25;
	p0 =	por !p0, !p0  }
0x6c: {  	s25 =	sshrl.u32 s25, $0x7;
	s26 =	simm.s32 @!p0 $0x0  }
0x6d: {  	s25 =	ssub.s32 s25, s26  }
0x6e: {  	s25 =	sshll.u32 s25, $0x7  }
0x6f: {  	s25 =	sand.u32 $0x1FFFFF80, s25  }
0x70: {  	s25 =	sadd.s32 s1, s25  }
0x71: {  	[tilespmem:s19], [sflag:$0x1] =	stream.linear.gather [hbm4b:s25+s4], $0x400, $0x38;
	[tilespmem:$0x10D00] =	vst v63  }
0x72: {  	s30 =	rddreg [dreg:$0x7];
	s31 =	sadd.s32 $0xF4280, s25  }
0x73: {  	[tilespmem:s30], [sflag:$0x1] =	stream.linear.gather [hbm4b:s31+s4], $0x400, $0x38;
	[tilespmem:$0x10D00] =	vst v63  }
0x74: {  	s29 =	rddreg [dreg:$0x8];
	s30 =	sadd.s32 $0x1E8500, s25  }
0x75: {  	[tilespmem:s29], [sflag:$0x1] =	stream.linear.gather [hbm4b:s30+s4], $0x400, $0x38;
	[tilespmem:$0x10D00] =	vst v63  }
0x76: {  	s31 =	rddreg [dreg:$0x9];
	s25 =	sadd.s32 $0x2DC780, s25  }
0x77: {  	[tilespmem:s31], [sflag:$0x1] =	stream.linear.gather [hbm4b:s25+s4], $0x400, $0x38;
	[tilespmem:$0x10D00] =	vst v63  }
0x78: {  	s25 =	spop (v2sf);
	(v2sf) =	vpush v4, $0x1  }
0x79: {  	s30 =	sand.u32 $0x7F, s25  }
0x7a: {  	s31 =	sshra.s32 s25, $0x1F;
	p1 =	slt.s32 s25, $0x1;
	p2 =	sne.s32 s30, $0x0  }
0x7b: {  	s29 =	sshrl.u32 s31, $0x19;
	p0 =	por !p1, !p2  }
0x7c: {  	s26 =	simm.s32 $0x1;
	s25 =	sadd.s32 s29, s25;
	p0 =	por !p0, !p0  }
0x7d: {  	s25 =	sshrl.u32 s25, $0x7;
	s26 =	simm.s32 @!p0 $0x0  }
0x7e: {  	s25 =	ssub.s32 s25, s26  }
0x7f: {  	s25 =	sshll.u32 s25, $0x7  }
0x80: {  	s25 =	sand.u32 $0x1FFFFF80, s25  }
0x81: {  	s25 =	sadd.s32 s2, s25  }
0x82: {  	[tilespmem:s20], [sflag:$0x1] =	stream.linear.gather [hbm4b:s25+s4], $0x400, $0x38;
	[tilespmem:$0x10D00] =	vst v63  }
0x83: {  	s30 =	rddreg [dreg:$0xa];
	s31 =	sadd.s32 $0xF4280, s25  }
0x84: {  	[tilespmem:s30], [sflag:$0x1] =	stream.linear.gather [hbm4b:s31+s4], $0x400, $0x38;
	[tilespmem:$0x10D00] =	vst v63  }
0x85: {  	s29 =	rddreg [dreg:$0xb];
	s30 =	sadd.s32 $0x1E8500, s25  }
0x86: {  	[tilespmem:s29], [sflag:$0x1] =	stream.linear.gather [hbm4b:s30+s4], $0x400, $0x38;
	[tilespmem:$0x10D00] =	vst v63  }
0x87: {  	s31 =	rddreg [dreg:$0xc];
	s25 =	sadd.s32 $0x2DC780, s25;
	s29 =	spop (v2sf)  }
0x88: {  	(v2sf) =	vpush v3, $0x1;
	[tilespmem:s31], [sflag:$0x1] =	stream.linear.gather [hbm4b:s25+s4], $0x400, $0x38;
	[tilespmem:$0x10D00] =	vst v63  }
0x89: {  	s30 =	sand.u32 $0x7F, s29  }
0x8a: {  	s31 =	sshra.s32 s29, $0x1F;
	p3 =	slt.s32 s29, $0x1;
	p4 =	sne.s32 s30, $0x0  }
0x8b: {  	s28 =	sshrl.u32 s31, $0x19;
	p0 =	por !p3, !p4  }
0x8c: {  	s26 =	simm.s32 $0x1;
	s25 =	sadd.s32 s28, s29;
	p0 =	por !p0, !p0  }
0x8d: {  	s25 =	sshrl.u32 s25, $0x7;
	s26 =	simm.s32 @!p0 $0x0  }
0x8e: {  	s25 =	ssub.s32 s25, s26  }
0x8f: {  	s25 =	sshll.u32 s25, $0x7  }
0x90: {  	s25 =	sand.u32 $0x1FFFFF80, s25  }
0x91: {  	s29 =	rddreg [dreg:$0xd];
	s25 =	sadd.s32 s1, s25  }
0x92: {  	[tilespmem:s29], [sflag:$0x1] =	stream.linear.gather [hbm4b:s25+s4], $0x400, $0x38;
	[tilespmem:$0x10D00] =	vst v63  }
0x93: {  	s30 =	rddreg [dreg:$0xe];
	s31 =	sadd.s32 $0xF4280, s25  }
0x94: {  	[tilespmem:s30], [sflag:$0x1] =	stream.linear.gather [hbm4b:s31+s4], $0x400, $0x38;
	[tilespmem:$0x10D00] =	vst v63  }
0x95: {  	s29 =	rddreg [dreg:$0xf];
	s30 =	sadd.s32 $0x1E8500, s25  }
0x96: {  	[tilespmem:s29], [sflag:$0x1] =	stream.linear.gather [hbm4b:s30+s4], $0x400, $0x38;
	[tilespmem:$0x10D00] =	vst v63  }
0x97: {  	s31 =	rddreg [dreg:$0x10];
	s25 =	sadd.s32 $0x2DC780, s25;
	s29 =	spop (v2sf)  }
0x98: {  	(v2sf) =	vpush v4, $0x2;
	[tilespmem:s31], [sflag:$0x1] =	stream.linear.gather [hbm4b:s25+s4], $0x400, $0x38;
	[tilespmem:$0x10D00] =	vst v63  }
0x99: {  	s30 =	sand.u32 $0x7F, s29  }
0x9a: {  	s31 =	sshra.s32 s29, $0x1F;
	p5 =	slt.s32 s29, $0x1;
	p6 =	sne.s32 s30, $0x0  }
0x9b: {  	s28 =	sshrl.u32 s31, $0x19;
	p0 =	por !p5, !p6  }
0x9c: {  	s26 =	simm.s32 $0x1;
	s25 =	sadd.s32 s28, s29;
	p0 =	por !p0, !p0  }
0x9d: {  	s25 =	sshrl.u32 s25, $0x7;
	s26 =	simm.s32 @!p0 $0x0  }
0x9e: {  	s25 =	ssub.s32 s25, s26  }
0x9f: {  	s25 =	sshll.u32 s25, $0x7  }
0xa0: {  	s25 =	sand.u32 $0x1FFFFF80, s25  }
0xa1: {  	s29 =	rddreg [dreg:$0x11];
	s25 =	sadd.s32 s2, s25  }
0xa2: {  	[tilespmem:s29], [sflag:$0x1] =	stream.linear.gather [hbm4b:s25+s4], $0x400, $0x38;
	[tilespmem:$0x10D00] =	vst v63  }
0xa3: {  	s30 =	rddreg [dreg:$0x12];
	s31 =	sadd.s32 $0xF4280, s25  }
0xa4: {  	[tilespmem:s30], [sflag:$0x1] =	stream.linear.gather [hbm4b:s31+s4], $0x400, $0x38;
	[tilespmem:$0x10D00] =	vst v63  }
0xa5: {  	s29 =	rddreg [dreg:$0x13];
	s30 =	sadd.s32 $0x1E8500, s25  }
0xa6: {  	[tilespmem:s29], [sflag:$0x1] =	stream.linear.gather [hbm4b:s30+s4], $0x400, $0x38;
	[tilespmem:$0x10D00] =	vst v63  }
0xa7: {  	s31 =	rddreg [dreg:$0x14];
	s25 =	sadd.s32 $0x2DC780, s25;
	s29 =	spop (v2sf)  }
0xa8: {  	(v2sf) =	vpush v3, $0x2;
	[tilespmem:s31], [sflag:$0x1] =	stream.linear.gather [hbm4b:s25+s4], $0x400, $0x38;
	[tilespmem:$0x10D00] =	vst v63  }
0xa9: {  	s30 =	sand.u32 $0x7F, s29  }
0xaa: {  	s31 =	sshra.s32 s29, $0x1F;
	p1 =	slt.s32 s29, $0x1;
	p2 =	sne.s32 s30, $0x0  }
0xab: {  	s28 =	sshrl.u32 s31, $0x19;
	p0 =	por !p1, !p2  }
0xac: {  	s26 =	simm.s32 $0x1;
	s25 =	sadd.s32 s28, s29;
	p0 =	por !p0, !p0  }
0xad: {  	s25 =	sshrl.u32 s25, $0x7;
	s26 =	simm.s32 @!p0 $0x0  }
0xae: {  	s25 =	ssub.s32 s25, s26  }
0xaf: {  	s25 =	sshll.u32 s25, $0x7  }
0xb0: {  	s25 =	sand.u32 $0x1FFFFF80, s25  }
0xb1: {  	s29 =	rddreg [dreg:$0x15];
	s25 =	sadd.s32 s1, s25  }
0xb2: {  	[tilespmem:s29], [sflag:$0x1] =	stream.linear.gather [hbm4b:s25+s4], $0x400, $0x38;
	[tilespmem:$0x10D00] =	vst v63  }
0xb3: {  	s30 =	rddreg [dreg:$0x16];
	s31 =	sadd.s32 $0xF4280, s25  }
0xb4: {  	[tilespmem:s30], [sflag:$0x1] =	stream.linear.gather [hbm4b:s31+s4], $0x400, $0x38;
	[tilespmem:$0x10D00] =	vst v63  }
0xb5: {  	s29 =	rddreg [dreg:$0x17];
	s30 =	sadd.s32 $0x1E8500, s25  }
0xb6: {  	[tilespmem:s29], [sflag:$0x1] =	stream.linear.gather [hbm4b:s30+s4], $0x400, $0x38;
	[tilespmem:$0x10D00] =	vst v63  }
0xb7: {  	s31 =	rddreg [dreg:$0x18];
	s25 =	sadd.s32 $0x2DC780, s25;
	s29 =	spop (v2sf)  }
0xb8: {  	(v2sf) =	vpush v4, $0x3;
	[tilespmem:s31], [sflag:$0x1] =	stream.linear.gather [hbm4b:s25+s4], $0x400, $0x38;
	[tilespmem:$0x10D00] =	vst v63  }
0xb9: {  	s30 =	sand.u32 $0x7F, s29  }
0xba: {  	s31 =	sshra.s32 s29, $0x1F;
	p3 =	slt.s32 s29, $0x1;
	p4 =	sne.s32 s30, $0x0  }
0xbb: {  	s28 =	sshrl.u32 s31, $0x19;
	p0 =	por !p3, !p4  }
0xbc: {  	s26 =	simm.s32 $0x1;
	s25 =	sadd.s32 s28, s29;
	p0 =	por !p0, !p0  }
0xbd: {  	s25 =	sshrl.u32 s25, $0x7;
	s26 =	simm.s32 @!p0 $0x0  }
0xbe: {  	s25 =	ssub.s32 s25, s26  }
0xbf: {  	s25 =	sshll.u32 s25, $0x7  }
0xc0: {  	s25 =	sand.u32 $0x1FFFFF80, s25  }
0xc1: {  	s29 =	rddreg [dreg:$0x19];
	s25 =	sadd.s32 s2, s25  }
0xc2: {  	[tilespmem:s29], [sflag:$0x1] =	stream.linear.gather [hbm4b:s25+s4], $0x400, $0x38;
	[tilespmem:$0x10D00] =	vst v63  }
0xc3: {  	s30 =	rddreg [dreg:$0x1a];
	s31 =	sadd.s32 $0xF4280, s25  }
0xc4: {  	[tilespmem:s30], [sflag:$0x1] =	stream.linear.gather [hbm4b:s31+s4], $0x400, $0x38;
	[tilespmem:$0x10D00] =	vst v63  }
0xc5: {  	s29 =	rddreg [dreg:$0x1b];
	s30 =	sadd.s32 $0x1E8500, s25  }
0xc6: {  	[tilespmem:s29], [sflag:$0x1] =	stream.linear.gather [hbm4b:s30+s4], $0x400, $0x38;
	[tilespmem:$0x10D00] =	vst v63  }
0xc7: {  	s31 =	rddreg [dreg:$0x1c];
	s25 =	sadd.s32 $0x2DC780, s25;
	s29 =	spop (v2sf)  }
0xc8: {  	(v2sf) =	vpush v3, $0x3;
	[tilespmem:s31], [sflag:$0x1] =	stream.linear.gather [hbm4b:s25+s4], $0x400, $0x38;
	[tilespmem:$0x10D00] =	vst v63  }
0xc9: {  	s30 =	sand.u32 $0x7F, s29  }
0xca: {  	s31 =	sshra.s32 s29, $0x1F;
	p5 =	slt.s32 s29, $0x1;
	p6 =	sne.s32 s30, $0x0  }
0xcb: {  	s28 =	sshrl.u32 s31, $0x19;
	p0 =	por !p5, !p6  }
0xcc: {  	s26 =	simm.s32 $0x1;
	s25 =	sadd.s32 s28, s29;
	p0 =	por !p0, !p0  }
0xcd: {  	s25 =	sshrl.u32 s25, $0x7;
	s26 =	simm.s32 @!p0 $0x0  }
0xce: {  	s25 =	ssub.s32 s25, s26  }
0xcf: {  	s25 =	sshll.u32 s25, $0x7  }
0xd0: {  	s30 =	rddreg [dreg:$0x1e];
	s25 =	sand.u32 $0x1FFFFF80, s25  }
0xd1: {  	s29 =	rddreg [dreg:$0x1d];
	s25 =	sadd.s32 s1, s25  }
0xd2: {  	[tilespmem:s29], [sflag:$0x1] =	stream.linear.gather [hbm4b:s25+s4], $0x400, $0x38;
	[tilespmem:$0x10D00] =	vst v63  }
0xd3: {  	s31 =	sadd.s32 $0xF4280, s25;
	s29 =	rddreg [dreg:$0x1f]  }
0xd4: {  	[tilespmem:s30], [sflag:$0x1] =	stream.linear.gather [hbm4b:s31+s4], $0x400, $0x38;
	[tilespmem:$0x10D00] =	vst v63  }
0xd5: {  	s30 =	sadd.s32 $0x1E8500, s25;
	s31 =	sld [smem:$0x7D9]  }
0xd6: {  	[tilespmem:s29], [sflag:$0x1] =	stream.linear.gather [hbm4b:s30+s4], $0x400, $0x38;
	[tilespmem:$0x10D00] =	vst v63  }
0xd7: {  	s25 =	sadd.s32 $0x2DC780, s25;
	s29 =	spop (v2sf)  }
0xd8: {  	(v2sf) =	vpush v4, $0x4;
	[tilespmem:s31], [sflag:$0x1] =	stream.linear.gather [hbm4b:s25+s4], $0x400, $0x38;
	[tilespmem:$0x10D00] =	vst v63  }
0xd9: {  	s30 =	sand.u32 $0x7F, s29  }
0xda: {  	s31 =	sshra.s32 s29, $0x1F;
	p1 =	slt.s32 s29, $0x1;
	p2 =	sne.s32 s30, $0x0  }
0xdb: {  	s28 =	sshrl.u32 s31, $0x19;
	p0 =	por !p1, !p2  }
0xdc: {  	s26 =	simm.s32 $0x1;
	s25 =	sadd.s32 s28, s29;
	p0 =	por !p0, !p0  }
0xdd: {  	s25 =	sshrl.u32 s25, $0x7;
	s26 =	simm.s32 @!p0 $0x0  }
0xde: {  	s25 =	ssub.s32 s25, s26  }
0xdf: {  	s29 =	sld [smem:$0x7DA];
	s25 =	sshll.u32 s25, $0x7  }
0xe0: {  	s25 =	sand.u32 $0x1FFFFF80, s25  }
0xe1: {  	s30 =	sld [smem:$0x7DB];
	s25 =	sadd.s32 s2, s25  }
0xe2: {  	[tilespmem:s29], [sflag:$0x1] =	stream.linear.gather [hbm4b:s25+s4], $0x400, $0x38;
	[tilespmem:$0x10D00] =	vst v63  }
0xe3: {  	s31 =	sadd.s32 $0xF4280, s25;
	s29 =	sld [smem:$0x7DC]  }
0xe4: {  	[tilespmem:s30], [sflag:$0x1] =	stream.linear.gather [hbm4b:s31+s4], $0x400, $0x38;
	[tilespmem:$0x10D00] =	vst v63  }
0xe5: {  	s30 =	sadd.s32 $0x1E8500, s25;
	s31 =	sld [smem:$0x7DD]  }
0xe6: {  	[tilespmem:s29], [sflag:$0x1] =	stream.linear.gather [hbm4b:s30+s4], $0x400, $0x38;
	[tilespmem:$0x10D00] =	vst v63  }
0xe7: {  	s25 =	sadd.s32 $0x2DC780, s25;
	s29 =	spop (v2sf)  }
0xe8: {  	(v2sf) =	vpush v3, $0x4;
	[tilespmem:s31], [sflag:$0x1] =	stream.linear.gather [hbm4b:s25+s4], $0x400, $0x38;
	[tilespmem:$0x10D00] =	vst v63  }
0xe9: {  	s30 =	sand.u32 $0x7F, s29  }
0xea: {  	s31 =	sshra.s32 s29, $0x1F;
	p3 =	slt.s32 s29, $0x1;
	p4 =	sne.s32 s30, $0x0  }
0xeb: {  	s28 =	sshrl.u32 s31, $0x19;
	p0 =	por !p3, !p4  }
0xec: {  	s26 =	simm.s32 $0x1;
	s25 =	sadd.s32 s28, s29;
	p0 =	por !p0, !p0  }
0xed: {  	s25 =	sshrl.u32 s25, $0x7;
	s26 =	simm.s32 @!p0 $0x0  }
0xee: {  	s25 =	ssub.s32 s25, s26  }
0xef: {  	s29 =	sld [smem:$0x7DE];
	s25 =	sshll.u32 s25, $0x7  }
0xf0: {  	s25 =	sand.u32 $0x1FFFFF80, s25  }
0xf1: {  	s30 =	sld [smem:$0x7DF];
	s25 =	sadd.s32 s1, s25  }
0xf2: {  	[tilespmem:s29], [sflag:$0x1] =	stream.linear.gather [hbm4b:s25+s4], $0x400, $0x38;
	[tilespmem:$0x10D00] =	vst v63  }
0xf3: {  	s31 =	sadd.s32 $0xF4280, s25;
	s29 =	sld [smem:$0x7E0]  }
0xf4: {  	[tilespmem:s30], [sflag:$0x1] =	stream.linear.gather [hbm4b:s31+s4], $0x400, $0x38;
	[tilespmem:$0x10D00] =	vst v63  }
0xf5: {  	s30 =	sadd.s32 $0x1E8500, s25;
	s31 =	sld [smem:$0x7E1]  }
0xf6: {  	[tilespmem:s29], [sflag:$0x1] =	stream.linear.gather [hbm4b:s30+s4], $0x400, $0x38;
	[tilespmem:$0x10D00] =	vst v63  }
0xf7: {  	s25 =	sadd.s32 $0x2DC780, s25;
	s29 =	spop (v2sf)  }
0xf8: {  	(v2sf) =	vpush v4, $0x5;
	[tilespmem:s31], [sflag:$0x1] =	stream.linear.gather [hbm4b:s25+s4], $0x400, $0x38;
	[tilespmem:$0x10D00] =	vst v63  }
0xf9: {  	s30 =	sand.u32 $0x7F, s29  }
0xfa: {  	s31 =	sshra.s32 s29, $0x1F;
	p5 =	slt.s32 s29, $0x1;
	p6 =	sne.s32 s30, $0x0  }
0xfb: {  	s28 =	sshrl.u32 s31, $0x19;
	p0 =	por !p5, !p6  }
0xfc: {  	s26 =	simm.s32 $0x1;
	s25 =	sadd.s32 s28, s29;
	p0 =	por !p0, !p0  }
0xfd: {  	s25 =	sshrl.u32 s25, $0x7;
	s26 =	simm.s32 @!p0 $0x0  }
0xfe: {  	s25 =	ssub.s32 s25, s26  }
0xff: {  	s29 =	sld [smem:$0x7E2];
	s25 =	sshll.u32 s25, $0x7  }
0x100: {  	s25 =	sand.u32 $0x1FFFFF80, s25  }
0x101: {  	s30 =	sld [smem:$0x7E3];
	s25 =	sadd.s32 s2, s25  }
0x102: {  	[tilespmem:s29], [sflag:$0x1] =	stream.linear.gather [hbm4b:s25+s4], $0x400, $0x38;
	[tilespmem:$0x10D00] =	vst v63  }
0x103: {  	s31 =	sadd.s32 $0xF4280, s25;
	s29 =	sld [smem:$0x7E4]  }
0x104: {  	[tilespmem:s30], [sflag:$0x1] =	stream.linear.gather [hbm4b:s31+s4], $0x400, $0x38;
	[tilespmem:$0x10D00] =	vst v63  }
0x105: {  	s30 =	sadd.s32 $0x1E8500, s25;
	s31 =	sld [smem:$0x7E5]  }
0x106: {  	[tilespmem:s29], [sflag:$0x1] =	stream.linear.gather [hbm4b:s30+s4], $0x400, $0x38;
	[tilespmem:$0x10D00] =	vst v63  }
0x107: {  	s25 =	sadd.s32 $0x2DC780, s25;
	s29 =	spop (v2sf)  }
0x108: {  	(v2sf) =	vpush v3, $0x5;
	[tilespmem:s31], [sflag:$0x1] =	stream.linear.gather [hbm4b:s25+s4], $0x400, $0x38;
	[tilespmem:$0x10D00] =	vst v63  }
0x109: {  	s30 =	sand.u32 $0x7F, s29  }
0x10a: {  	s31 =	sshra.s32 s29, $0x1F;
	p1 =	slt.s32 s29, $0x1;
	p2 =	sne.s32 s30, $0x0  }
0x10b: {  	s28 =	sshrl.u32 s31, $0x19;
	p0 =	por !p1, !p2  }
0x10c: {  	s26 =	simm.s32 $0x1;
	s25 =	sadd.s32 s28, s29;
	p0 =	por !p0, !p0  }
0x10d: {  	s25 =	sshrl.u32 s25, $0x7;
	s26 =	simm.s32 @!p0 $0x0  }
0x10e: {  	s25 =	ssub.s32 s25, s26  }
0x10f: {  	s29 =	sld [smem:$0x7E6];
	s25 =	sshll.u32 s25, $0x7  }
0x110: {  	s25 =	sand.u32 $0x1FFFFF80, s25  }
0x111: {  	s30 =	sld [smem:$0x7E7];
	s25 =	sadd.s32 s1, s25  }
0x112: {  	[tilespmem:s29], [sflag:$0x1] =	stream.linear.gather [hbm4b:s25+s4], $0x400, $0x38;
	[tilespmem:$0x10D00] =	vst v63  }
0x113: {  	s31 =	sadd.s32 $0xF4280, s25;
	s29 =	sld [smem:$0x7E8]  }
0x114: {  	[tilespmem:s30], [sflag:$0x1] =	stream.linear.gather [hbm4b:s31+s4], $0x400, $0x38;
	[tilespmem:$0x10D00] =	vst v63  }
0x115: {  	s30 =	sadd.s32 $0x1E8500, s25;
	s31 =	sld [smem:$0x7E9]  }
0x116: {  	[tilespmem:s29], [sflag:$0x1] =	stream.linear.gather [hbm4b:s30+s4], $0x400, $0x38;
	[tilespmem:$0x10D00] =	vst v63  }
0x117: {  	s25 =	sadd.s32 $0x2DC780, s25;
	s29 =	spop (v2sf)  }
0x118: {  	(v2sf) =	vpush v4, $0x6;
	[tilespmem:s31], [sflag:$0x1] =	stream.linear.gather [hbm4b:s25+s4], $0x400, $0x38;
	[tilespmem:$0x10D00] =	vst v63  }
0x119: {  	s30 =	sand.u32 $0x7F, s29  }
0x11a: {  	s31 =	sshra.s32 s29, $0x1F;
	p3 =	slt.s32 s29, $0x1;
	p4 =	sne.s32 s30, $0x0  }
0x11b: {  	s28 =	sshrl.u32 s31, $0x19;
	p0 =	por !p3, !p4  }
0x11c: {  	s26 =	simm.s32 $0x1;
	s25 =	sadd.s32 s28, s29;
	p0 =	por !p0, !p0  }
0x11d: {  	s25 =	sshrl.u32 s25, $0x7;
	s26 =	simm.s32 @!p0 $0x0  }
0x11e: {  	s25 =	ssub.s32 s25, s26  }
0x11f: {  	s29 =	sld [smem:$0x7EA];
	s25 =	sshll.u32 s25, $0x7  }
0x120: {  	s25 =	sand.u32 $0x1FFFFF80, s25  }
0x121: {  	s30 =	sld [smem:$0x7EB];
	s25 =	sadd.s32 s2, s25  }
0x122: {  	[tilespmem:s29], [sflag:$0x1] =	stream.linear.gather [hbm4b:s25+s4], $0x400, $0x38;
	[tilespmem:$0x10D00] =	vst v63  }
0x123: {  	s31 =	sadd.s32 $0xF4280, s25;
	s29 =	sld [smem:$0x7EC]  }
0x124: {  	[tilespmem:s30], [sflag:$0x1] =	stream.linear.gather [hbm4b:s31+s4], $0x400, $0x38;
	[tilespmem:$0x10D00] =	vst v63  }
0x125: {  	s30 =	sadd.s32 $0x1E8500, s25;
	s31 =	sld [smem:$0x7ED]  }
0x126: {  	[tilespmem:s29], [sflag:$0x1] =	stream.linear.gather [hbm4b:s30+s4], $0x400, $0x38;
	[tilespmem:$0x10D00] =	vst v63  }
0x127: {  	s25 =	sadd.s32 $0x2DC780, s25;
	s29 =	spop (v2sf)  }
0x128: {  	(v2sf) =	vpush v3, $0x6;
	[tilespmem:s31], [sflag:$0x1] =	stream.linear.gather [hbm4b:s25+s4], $0x400, $0x38;
	[tilespmem:$0x10D00] =	vst v63  }
0x129: {  	s30 =	sand.u32 $0x7F, s29  }
0x12a: {  	s31 =	sshra.s32 s29, $0x1F;
	p5 =	slt.s32 s29, $0x1;
	p6 =	sne.s32 s30, $0x0  }
0x12b: {  	s28 =	sshrl.u32 s31, $0x19;
	p0 =	por !p5, !p6  }
0x12c: {  	s26 =	simm.s32 $0x1;
	s25 =	sadd.s32 s28, s29;
	p0 =	por !p0, !p0  }
0x12d: {  	s25 =	sshrl.u32 s25, $0x7;
	s26 =	simm.s32 @!p0 $0x0  }
0x12e: {  	s25 =	ssub.s32 s25, s26  }
0x12f: {  	s29 =	sld [smem:$0x7EE];
	s25 =	sshll.u32 s25, $0x7  }
0x130: {  	s25 =	sand.u32 $0x1FFFFF80, s25  }
0x131: {  	s30 =	sld [smem:$0x7EF];
	s25 =	sadd.s32 s1, s25  }
0x132: {  	[tilespmem:s29], [sflag:$0x1] =	stream.linear.gather [hbm4b:s25+s4], $0x400, $0x38;
	[tilespmem:$0x10D00] =	vst v63  }
0x133: {  	s31 =	sadd.s32 $0xF4280, s25;
	s29 =	sld [smem:$0x7F0]  }
0x134: {  	[tilespmem:s30], [sflag:$0x1] =	stream.linear.gather [hbm4b:s31+s4], $0x400, $0x38;
	[tilespmem:$0x10D00] =	vst v63  }
0x135: {  	s30 =	sadd.s32 $0x1E8500, s25;
	s31 =	sld [smem:$0x7F1]  }
0x136: {  	[tilespmem:s29], [sflag:$0x1] =	stream.linear.gather [hbm4b:s30+s4], $0x400, $0x38;
	[tilespmem:$0x10D00] =	vst v63  }
0x137: {  	s25 =	sadd.s32 $0x2DC780, s25;
	s29 =	spop (v2sf)  }
0x138: {  	(v2sf) =	vpush v4, $0x7;
	[tilespmem:s31], [sflag:$0x1] =	stream.linear.gather [hbm4b:s25+s4], $0x400, $0x38;
	[tilespmem:$0x10D00] =	vst v63  }
0x139: {  	s30 =	sand.u32 $0x7F, s29  }
0x13a: {  	s31 =	sshra.s32 s29, $0x1F;
	p1 =	slt.s32 s29, $0x1;
	p2 =	sne.s32 s30, $0x0  }
0x13b: {  	s28 =	sshrl.u32 s31, $0x19;
	p0 =	por !p1, !p2  }
0x13c: {  	s26 =	simm.s32 $0x1;
	s25 =	sadd.s32 s28, s29;
	p0 =	por !p0, !p0  }
0x13d: {  	s25 =	sshrl.u32 s25, $0x7;
	s26 =	simm.s32 @!p0 $0x0  }
0x13e: {  	s25 =	ssub.s32 s25, s26  }
0x13f: {  	s29 =	sld [smem:$0x7F2];
	s25 =	sshll.u32 s25, $0x7  }
0x140: {  	s25 =	sand.u32 $0x1FFFFF80, s25  }
0x141: {  	s30 =	sld [smem:$0x7F3];
	s25 =	sadd.s32 s2, s25  }
0x142: {  	[tilespmem:s29], [sflag:$0x1] =	stream.linear.gather [hbm4b:s25+s4], $0x400, $0x38;
	[tilespmem:$0x10D00] =	vst v63  }
0x143: {  	s31 =	sadd.s32 $0xF4280, s25;
	s29 =	sld [smem:$0x7F4]  }
0x144: {  	[tilespmem:s30], [sflag:$0x1] =	stream.linear.gather [hbm4b:s31+s4], $0x400, $0x38;
	[tilespmem:$0x10D00] =	vst v63  }
0x145: {  	s30 =	sadd.s32 $0x1E8500, s25;
	s31 =	sld [smem:$0x7F5]  }
0x146: {  	[tilespmem:s29], [sflag:$0x1] =	stream.linear.gather [hbm4b:s30+s4], $0x400, $0x38;
	[tilespmem:$0x10D00] =	vst v63  }
0x147: {  	s25 =	sadd.s32 $0x2DC780, s25;
	s29 =	spop (v2sf)  }
0x148: {  	(v2sf) =	vpush v3, $0x7;
	[tilespmem:s31], [sflag:$0x1] =	stream.linear.gather [hbm4b:s25+s4], $0x400, $0x38;
	[tilespmem:$0x10D00] =	vst v63  }
0x149: {  	s30 =	sand.u32 $0x7F, s29  }
0x14a: {  	s31 =	sshra.s32 s29, $0x1F;
	p3 =	slt.s32 s29, $0x1;
	p4 =	sne.s32 s30, $0x0  }
0x14b: {  	s28 =	sshrl.u32 s31, $0x19;
	p0 =	por !p3, !p4  }
0x14c: {  	s26 =	simm.s32 $0x1;
	s25 =	sadd.s32 s28, s29;
	p0 =	por !p0, !p0  }
0x14d: {  	s25 =	sshrl.u32 s25, $0x7;
	s26 =	simm.s32 @!p0 $0x0  }
0x14e: {  	s25 =	ssub.s32 s25, s26  }
0x14f: {  	s29 =	sld [smem:$0x7F6];
	s25 =	sshll.u32 s25, $0x7  }
0x150: {  	s25 =	sand.u32 $0x1FFFFF80, s25  }
0x151: {  	s30 =	sld [smem:$0x7F7];
	s25 =	sadd.s32 s1, s25  }
0x152: {  	[tilespmem:s29], [sflag:$0x1] =	stream.linear.gather [hbm4b:s25+s4], $0x400, $0x38;
	[tilespmem:$0x10D00] =	vst v63  }
0x153: {  	s31 =	sadd.s32 $0xF4280, s25;
	s29 =	sld [smem:$0x7F8]  }
0x154: {  	[tilespmem:s30], [sflag:$0x1] =	stream.linear.gather [hbm4b:s31+s4], $0x400, $0x38;
	[tilespmem:$0x10D00] =	vst v63  }
0x155: {  	s30 =	sadd.s32 $0x1E8500, s25;
	s31 =	sld [smem:$0x7F9]  }
0x156: {  	[tilespmem:s29], [sflag:$0x1] =	stream.linear.gather [hbm4b:s30+s4], $0x400, $0x38;
	[tilespmem:$0x10D00] =	vst v63  }
0x157: {  	s25 =	sadd.s32 $0x2DC780, s25;
	s29 =	spop (v2sf)  }
0x158: {  	[tilespmem:s31], [sflag:$0x1] =	stream.linear.gather [hbm4b:s25+s4], $0x400, $0x38;
	[tilespmem:$0x10D00] =	vst v63  }
0x159: {  	s30 =	sand.u32 $0x7F, s29  }
0x15a: {  	s31 =	sshra.s32 s29, $0x1F;
	p5 =	slt.s32 s29, $0x1;
	p6 =	sne.s32 s30, $0x0  }
0x15b: {  	s28 =	sshrl.u32 s31, $0x19;
	p0 =	por !p5, !p6  }
0x15c: {  	s26 =	simm.s32 $0x1;
	s25 =	sadd.s32 s28, s29;
	p0 =	por !p0, !p0  }
0x15d: {  	s25 =	sshrl.u32 s25, $0x7;
	s26 =	simm.s32 @!p0 $0x0  }
0x15e: {  	s25 =	ssub.s32 s25, s26  }
0x15f: {  	s29 =	sld [smem:$0x7FA];
	s25 =	sshll.u32 s25, $0x7  }
0x160: {  	s25 =	sand.u32 $0x1FFFFF80, s25  }
0x161: {  	s30 =	sld [smem:$0x7FB];
	s25 =	sadd.s32 s2, s25  }
0x162: {  	[tilespmem:s29], [sflag:$0x1] =	stream.linear.gather [hbm4b:s25+s4], $0x400, $0x38;
	[tilespmem:$0x10D00] =	vst v63  }
0x163: {  	s31 =	sadd.s32 $0xF4280, s25;
	s29 =	sld [smem:$0x7FC]  }
0x164: {  	[tilespmem:s30], [sflag:$0x1] =	stream.linear.gather [hbm4b:s31+s4], $0x400, $0x38;
	[tilespmem:$0x10D00] =	vst v63  }
0x165: {  	s30 =	sadd.s32 $0x1E8500, s25;
	s31 =	sld [smem:$0x7FD]  }
0x166: {  	[tilespmem:s29], [sflag:$0x1] =	stream.linear.gather [hbm4b:s30+s4], $0x400, $0x38;
	[tilespmem:$0x10D00] =	vst v63  }
0x167: {  	s25 =	sadd.s32 $0x2DC780, s25  }
0x168: {  	[tilespmem:s31], [sflag:$0x1] =	stream.linear.gather [hbm4b:s25+s4], $0x400, $0x38;
	[tilespmem:$0x10D00] =	vst v63  }
0x169: {  	_ =	swait.ge [sflag:s18], $0x1000  }
0x16a: {  	[sflag:s18] =	ssyncset.done $0x0  }
0x16b: {  	[sflag:s18] =	ssyncadd.s32 $0xFFFFF000  }
0x16c: {  	_ =	swait.ge [sflag:s18], $0x1000  }
0x16d: {  	[sflag:s18] =	ssyncset.done $0x0  }
0x16e: {  	[sflag:s18] =	ssyncadd.s32 $0xFFFFF000  }
0x16f: {  	_ =	swait.ge [sflag:s18], $0x1000  }
0x170: {  	[sflag:s18] =	ssyncset.done $0x0  }
0x171: {  	[sflag:s18] =	ssyncadd.s32 $0xFFFFF000  }
0x172: {  	_ =	swait.ge [sflag:s18], $0x1000  }
0x173: {  	[sflag:s18] =	ssyncset.done $0x0  }
0x174: {  	[sflag:s18] =	ssyncadd.s32 $0xFFFFF000  }
0x175: {  	_ =	swait.ge [sflag:s18], $0x1000  }
0x176: {  	[sflag:s18] =	ssyncset.done $0x0  }
0x177: {  	[sflag:s18] =	ssyncadd.s32 $0xFFFFF000  }
0x178: {  	_ =	swait.ge [sflag:s18], $0x1000  }
0x179: {  	[sflag:s18] =	ssyncset.done $0x0  }
0x17a: {  	[sflag:s18] =	ssyncadd.s32 $0xFFFFF000  }
0x17b: {  	_ =	swait.ge [sflag:s18], $0x1000  }
0x17c: {  	[sflag:s18] =	ssyncset.done $0x0  }
0x17d: {  	[sflag:s18] =	ssyncadd.s32 $0xFFFFF000  }
0x17e: {  	_ =	swait.ge [sflag:s18], $0x1000  }
0x17f: {  	[sflag:s18] =	ssyncset.done $0x0  }
0x180: {  	[sflag:s18] =	ssyncadd.s32 $0xFFFFF000  }
0x181: {  	_ =	swait.ge [sflag:s18], $0x1000  }
0x182: {  	[sflag:s18] =	ssyncset.done $0x0  }
0x183: {  	[sflag:s18] =	ssyncadd.s32 $0xFFFFF000  }
0x184: {  	_ =	swait.ge [sflag:s18], $0x1000  }
0x185: {  	[sflag:s18] =	ssyncset.done $0x0  }
0x186: {  	[sflag:s18] =	ssyncadd.s32 $0xFFFFF000  }
0x187: {  	_ =	swait.ge [sflag:s18], $0x1000  }
0x188: {  	[sflag:s18] =	ssyncset.done $0x0  }
0x189: {  	[sflag:s18] =	ssyncadd.s32 $0xFFFFF000  }
0x18a: {  	_ =	swait.ge [sflag:s18], $0x1000  }
0x18b: {  	[sflag:s18] =	ssyncset.done $0x0  }
0x18c: {  	[sflag:s18] =	ssyncadd.s32 $0xFFFFF000  }
0x18d: {  	v5 =	vshra.s32 v4, $0x1F;
	_ =	swait.ge [sflag:s18], $0x1000  }
0x18e: {  	v6 =	vshra.s32 v3, $0x1F;
	v5 =	vshrl.u32 v5, $0x19;
	[sflag:s18] =	ssyncset.done $0x0  }
0x18f: {  	v6 =	vshrl.u32 v6, $0x19;
	v5 =	vadd.s32 v5, v4;
	[sflag:s18] =	ssyncadd.s32 $0xFFFFF000  }
0x190: {  	v6 =	vadd.s32 v6, v3;
	v5 =	vshrl.u32 v5, $0x7;
	_ =	swait.ge [sflag:s18], $0x1000  }
0x191: {  	v6 =	vshrl.u32 v6, $0x7;
	v5 =	vshll.u32 v5, $0x7;
	[sflag:s18] =	ssyncset.done $0x0  }
0x192: {  	v32 =	vshll.u32 v6, $0x7;
	v4 =	vsub.s32 v4, v5;
	[sflag:s18] =	ssyncadd.s32 $0xFFFFF000  }
0x193: {  	v5 =	vsub.s32 v3, v32;
	v33 =	vshll.u32 v4, $0x3;
	_ =	swait.ge [sflag:s18], $0x1000  }
0x194: {  	v6 =	vadd.s32 v1, v33;
	v3 =	vshll.u32 v5, $0x3;
	[sflag:s18] =	ssyncset.done $0x0  }
0x195: {  	v4 =	vand.u32 $0x7F, v4;
	v6 =	vand.u32 $0xFFFFFC00, v6;
	v7 =	vadd.s32 v1, v3;
	[sflag:s18] =	ssyncadd.s32 $0xFFFFF000  }
0x196: {  	v34 =	vand.u32 $0x7F, v5;
	v3 =	vor.u32 v4, v6;
	v35 =	vand.u32 $0xFFFFFC00, v7;
	_ =	swait.ge [sflag:s18], $0x1000  }
0x197: {  	v4 =	vor.u32 v34, v35;
	[sflag:s18] =	ssyncset.done $0x0  }
0x198: {  	v36 =	vor.u32 $0x80, v3;
	[sflag:s18] =	ssyncadd.s32 $0xFFFFF000  }
0x199: {  	v38 =	vor.u32 $0x80, v4;
	v37 =	vld [tilespmem:s24+$0x10500]  }
0x19a: {  	v9 =	vor.u32 $0x100, v3;
	v8 =	vld [tilespmem:s24+$0x10780]  }
0x19b: {  	v11 =	vor.u32 $0x100, v4;
	v10 =	vld.idx.msk [tilespmem:v3+s19+$0x0], $0xffff  }
0x19c: {  	v13 =	vor.u32 $0x180, v3;
	v12 =	vld.idx.msk [tilespmem:v4+s20+$0x0], $0xffff  }
0x19d: {  	v14 =	vor.u32 $0x180, v4;
	v5 =	vld.idx.msk [tilespmem:v36+s19+$0x0], $0xffff  }
0x19e: {  	v15 =	vor.u32 $0x200, v3;
	v7 =	vld.idx.msk [tilespmem:v38+s20+$0x0], $0xffff  }
0x19f: {  	v16 =	vor.u32 $0x200, v4;
	v9 =	vld.idx.msk [tilespmem:v9+s19+$0x0], $0xffff  }
0x1a0: {  	v17 =	vor.u32 $0x280, v3;
	v11 =	vld.idx.msk [tilespmem:v11+s20+$0x0], $0xffff  }
0x1a1: {  	v41 =	vor.u32 $0x280, v4;
	v40 =	vld.idx.msk [tilespmem:v13+s19+$0x0], $0xffff;
	v6 =	vadd.f32 v8, v37;
	v39 =	vmul.f32 v12, v10  }
0x1a2: {  	v43 =	vor.u32 $0x300, v3;
	v42 =	vld.idx.msk [tilespmem:v14+s20+$0x0], $0xffff  }
0x1a3: {  	v45 =	vor.u32 $0x300, v4;
	v44 =	vld.idx.msk [tilespmem:v15+s19+$0x0], $0xffff;
	v5 =	vmul.f32 v7, v5;
	v6 =	vadd.f32 v39, v6  }
0x1a4: {  	v47 =	vor.u32 $0x380, v3;
	v46 =	vld.idx.msk [tilespmem:v16+s20+$0x0], $0xffff  }
0x1a5: {  	v50 =	vor.u32 $0x380, v4;
	v49 =	vld.idx.msk [tilespmem:v17+s19+$0x0], $0xffff;
	v48 =	vmul.f32 v11, v9;
	v5 =	vadd.f32 v5, v6  }
0x1a6: {  	v51 =	vadd.s32 $0x2000, v3;
	v12 =	vld.idx.msk [tilespmem:v41+s20+$0x0], $0xffff  }
0x1a7: {  	v54 =	vadd.s32 $0x2000, v4;
	v53 =	vld.idx.msk [tilespmem:v43+s19+$0x0], $0xffff;
	v52 =	vmul.f32 v42, v40;
	v5 =	vadd.f32 v48, v5  }
0x1a8: {  	v55 =	vadd.s32 $0x2080, v3;
	v8 =	vld.idx.msk [tilespmem:v45+s20+$0x0], $0xffff  }
0x1a9: {  	v58 =	vadd.s32 $0x2080, v4;
	v57 =	vld.idx.msk [tilespmem:v47+s19+$0x0], $0xffff;
	v56 =	vmul.f32 v46, v44;
	v5 =	vadd.f32 v52, v5  }
0x1aa: {  	v59 =	vadd.s32 $0x2100, v3;
	v11 =	vld.idx.msk [tilespmem:v50+s20+$0x0], $0xffff  }
0x1ab: {  	v62 =	vadd.s32 $0x2100, v4;
	v61 =	vld.idx.msk [tilespmem:v51+s19+$0x0], $0xffff;
	v60 =	vmul.f32 v12, v49;
	v5 =	vadd.f32 v56, v5  }
0x1ac: {  	v63 =	vadd.s32 $0x2180, v3;
	v13 =	vld.idx.msk [tilespmem:v54+s20+$0x0], $0xffff  }
0x1ad: {  	v21 =	vadd.s32 $0x2180, v4;
	v20 =	vld.idx.msk [tilespmem:v55+s19+$0x0], $0xffff;
	v19 =	vmul.f32 v8, v53;
	v5 =	vadd.f32 v60, v5  }
0x1ae: {  	v23 =	vadd.s32 $0x2200, v3;
	v22 =	vld.idx.msk [tilespmem:v58+s20+$0x0], $0xffff  }
0x1af: {  	v26 =	vadd.s32 $0x2200, v4;
	v25 =	vld.idx.msk [tilespmem:v59+s19+$0x0], $0xffff;
	v24 =	vmul.f32 v11, v57;
	v5 =	vadd.f32 v19, v5  }
0x1b0: {  	v27 =	vadd.s32 $0x2280, v3;
	v12 =	vld.idx.msk [tilespmem:v62+s20+$0x0], $0xffff  }
0x1b1: {  	v30 =	vadd.s32 $0x2280, v4;
	v29 =	vld.idx.msk [tilespmem:v63+s19+$0x0], $0xffff;
	v28 =	vmul.f32 v13, v61;
	v5 =	vadd.f32 v24, v5  }
0x1b2: {  	v34 =	vadd.s32 $0x2300, v4;
	v10 =	vld.idx.msk [tilespmem:v21+s20+$0x0], $0xffff  }
0x1b3: {  	v31 =	vadd.s32 $0x2300, v3;
	v33 =	vld.idx.msk [tilespmem:v23+s19+$0x0], $0xffff;
	v32 =	vmul.f32 v22, v20;
	v5 =	vadd.f32 v28, v5  }
0x1b4: {  	v35 =	vadd.s32 $0x2380, v3;
	v11 =	vld.idx.msk [tilespmem:v26+s20+$0x0], $0xffff  }
0x1b5: {  	v38 =	vadd.s32 $0x2380, v4;
	v37 =	vld.idx.msk [tilespmem:v27+s19+$0x0], $0xffff;
	v36 =	vmul.f32 v12, v25;
	v5 =	vadd.f32 v32, v5  }
0x1b6: {  	v13 =	vld.idx.msk [tilespmem:v30+s20+$0x0], $0xffff;
	v42 =	vadd.s32 $0x4000, v4  }
0x1b7: {  	v14 =	vld.idx.msk [tilespmem:v34+s20+$0x0], $0xffff;
	v39 =	vadd.s32 $0x4000, v3;
	v40 =	vmul.f32 v10, v29;
	v5 =	vadd.f32 v36, v5  }
0x1b8: {  	v43 =	vadd.s32 $0x4080, v3;
	v41 =	vld.idx.msk [tilespmem:v31+s19+$0x0], $0xffff  }
0x1b9: {  	v45 =	vld.idx.msk [tilespmem:v35+s19+$0x0], $0xffff;
	v46 =	vadd.s32 $0x4080, v4;
	v44 =	vmul.f32 v11, v33;
	v5 =	vadd.f32 v40, v5  }
0x1ba: {  	v47 =	vadd.s32 $0x4100, v3;
	v12 =	vld.idx.msk [tilespmem:v38+s20+$0x0], $0xffff  }
0x1bb: {  	v50 =	vadd.s32 $0x4100, v4;
	v10 =	vld.idx.msk [tilespmem:v42+s20+$0x0], $0xffff;
	v48 =	vmul.f32 v13, v37;
	v5 =	vadd.f32 v44, v5  }
0x1bc: {  	v51 =	vadd.s32 $0x4180, v3;
	v49 =	vld.idx.msk [tilespmem:v39+s19+$0x0], $0xffff  }
0x1bd: {  	v54 =	vadd.s32 $0x4180, v4;
	v53 =	vld.idx.msk [tilespmem:v43+s19+$0x0], $0xffff;
	v52 =	vmul.f32 v14, v41;
	v5 =	vadd.f32 v48, v5  }
0x1be: {  	v55 =	vadd.s32 $0x4200, v3;
	v11 =	vld.idx.msk [tilespmem:v46+s20+$0x0], $0xffff  }
0x1bf: {  	v58 =	vadd.s32 $0x4200, v4;
	v57 =	vld.idx.msk [tilespmem:v47+s19+$0x0], $0xffff;
	v56 =	vmul.f32 v12, v45;
	v5 =	vadd.f32 v52, v5  }
0x1c0: {  	v59 =	vadd.s32 $0x4280, v3;
	v13 =	vld.idx.msk [tilespmem:v50+s20+$0x0], $0xffff  }
0x1c1: {  	v61 =	vld.idx.msk [tilespmem:v51+s19+$0x0], $0xffff;
	v62 =	vadd.s32 $0x4280, v4;
	v60 =	vmul.f32 v10, v49;
	v5 =	vadd.f32 v56, v5  }
0x1c2: {  	v63 =	vadd.s32 $0x4300, v3;
	v14 =	vld.idx.msk [tilespmem:v54+s20+$0x0], $0xffff  }
0x1c3: {  	v21 =	vld.idx.msk [tilespmem:v55+s19+$0x0], $0xffff;
	v22 =	vadd.s32 $0x4300, v4;
	v20 =	vmul.f32 v11, v53;
	v5 =	vadd.f32 v60, v5  }
0x1c4: {  	v23 =	vadd.s32 $0x4380, v3;
	v12 =	vld.idx.msk [tilespmem:v58+s20+$0x0], $0xffff  }
0x1c5: {  	v26 =	vadd.s32 $0x4380, v4;
	v25 =	vld.idx.msk [tilespmem:v59+s19+$0x0], $0xffff;
	v24 =	vmul.f32 v13, v57;
	v5 =	vadd.f32 v20, v5  }
0x1c6: {  	v27 =	vadd.s32 $0x6000, v3;
	v10 =	vld.idx.msk [tilespmem:v62+s20+$0x0], $0xffff  }
0x1c7: {  	v30 =	vadd.s32 $0x6000, v4;
	v29 =	vld.idx.msk [tilespmem:v63+s19+$0x0], $0xffff;
	v28 =	vmul.f32 v14, v61;
	v5 =	vadd.f32 v24, v5  }
0x1c8: {  	v31 =	vadd.s32 $0x6080, v3;
	v11 =	vld.idx.msk [tilespmem:v22+s20+$0x0], $0xffff  }
0x1c9: {  	v34 =	vadd.s32 $0x6080, v4;
	v33 =	vld.idx.msk [tilespmem:v23+s19+$0x0], $0xffff;
	v32 =	vmul.f32 v12, v21;
	v5 =	vadd.f32 v28, v5  }
0x1ca: {  	v35 =	vadd.s32 $0x6100, v3;
	v13 =	vld.idx.msk [tilespmem:v26+s20+$0x0], $0xffff  }
0x1cb: {  	v37 =	vld.idx.msk [tilespmem:v27+s19+$0x0], $0xffff;
	v38 =	vadd.s32 $0x6100, v4;
	v36 =	vmul.f32 v10, v25;
	v5 =	vadd.f32 v32, v5  }
0x1cc: {  	v39 =	vadd.s32 $0x6180, v3;
	v14 =	vld.idx.msk [tilespmem:v30+s20+$0x0], $0xffff  }
0x1cd: {  	v42 =	vadd.s32 $0x6180, v4;
	v41 =	vld.idx.msk [tilespmem:v31+s19+$0x0], $0xffff;
	v40 =	vmul.f32 v11, v29;
	v5 =	vadd.f32 v36, v5  }
0x1ce: {  	v43 =	vadd.s32 $0x6200, v3;
	v12 =	vld.idx.msk [tilespmem:v34+s20+$0x0], $0xffff  }
0x1cf: {  	v46 =	vadd.s32 $0x6200, v4;
	v45 =	vld.idx.msk [tilespmem:v35+s19+$0x0], $0xffff;
	v44 =	vmul.f32 v13, v33;
	v5 =	vadd.f32 v40, v5  }
0x1d0: {  	v50 =	vadd.s32 $0x6280, v4;
	v10 =	vld.idx.msk [tilespmem:v38+s20+$0x0], $0xffff  }
0x1d1: {  	v47 =	vadd.s32 $0x6280, v3;
	v49 =	vld.idx.msk [tilespmem:v39+s19+$0x0], $0xffff;
	v48 =	vmul.f32 v14, v37;
	v5 =	vadd.f32 v44, v5  }
0x1d2: {  	v51 =	vadd.s32 $0x6300, v3;
	v11 =	vld.idx.msk [tilespmem:v42+s20+$0x0], $0xffff  }
0x1d3: {  	v54 =	vadd.s32 $0x6300, v4;
	v53 =	vld.idx.msk [tilespmem:v43+s19+$0x0], $0xffff;
	v52 =	vmul.f32 v12, v41;
	v5 =	vadd.f32 v48, v5  }
0x1d4: {  	v3 =	vadd.s32 $0x6380, v3;
	v13 =	vld.idx.msk [tilespmem:v46+s20+$0x0], $0xffff  }
0x1d5: {  	v4 =	vadd.s32 $0x6380, v4;
	v57 =	vld.idx.msk [tilespmem:v50+s20+$0x0], $0xffff;
	v55 =	vmul.f32 v10, v45;
	v5 =	vadd.f32 v52, v5  }
0x1d6: {  	v56 =	vld.idx.msk [tilespmem:v47+s19+$0x0], $0xffff  }
0x1d7: {  	v59 =	vld.idx.msk [tilespmem:v51+s19+$0x0], $0xffff;
	v58 =	vmul.f32 v11, v49;
	v5 =	vadd.f32 v55, v5  }
0x1d8: {  	v60 =	vld.idx.msk [tilespmem:v54+s20+$0x0], $0xffff  }
0x1d9: {  	v3 =	vld.idx.msk [tilespmem:v3+s19+$0x0], $0xffff;
	v61 =	vmul.f32 v13, v53;
	v5 =	vadd.f32 v58, v5  }
0x1da: {  	v4 =	vld.idx.msk [tilespmem:v4+s20+$0x0], $0xffff  }
0x1db: {  	v62 =	vmul.f32 v57, v56;
	v5 =	vadd.f32 v61, v5;
	_ =	sdelay $0x1  }
0x1dc: {  	v63 =	vmul.f32 v60, v59;
	v5 =	vadd.f32 v62, v5;
	_ =	sdelay $0x1  }
0x1dd: {  	v3 =	vmul.f32 v4, v3;
	v5 =	vadd.f32 v63, v5  }
0x1de: {  	p0 =	sne.s32 s23, $0x7E0  }
.Ltmp0:
0x1df: {  	v3 =	vadd.f32 v3, v5;
	(pc) =	sbr.rel @p0 .LBB2_2-.Ltmp0, $3  }
0x1e0: {  	_ = 	snop  }
0x1e1: {  	v3 =	vadd.f32 v3, v2;
	_ =	sdelay $0x1  }
0x1e2: {  	s23 =	sadd.s32 $0x20, s23;
	[tilespmem:s24+$0x10A80] =	vst v3  }
0x1e3: {  	s22 =	sadd.s32 $0x1, s22  }
0x1e4: {  	p0 =	sne.s32 s22, s11  }
.Ltmp1:
0x1e5: {  	_ = 	snop;
	(pc) =	sbr.rel @p0 .LBB2_1-.Ltmp1, $4  }
0x1e6: {  	[hbm4b:s10+s4] =	stream.linear.scatter [tilespmem:s21], [sflag:$0x2], $0x200, $0x38;
	[tilespmem:$0x10D00] =	vst v63  }
0x1e7: {  	_ =	swait.ge [sflag:s12], $0x200  }
0x1e8: {  	[sflag:s12] =	ssyncset.done $0x0  }
0x1e9: {  	[sflag:s12] =	ssyncadd.s32 $0xFFFFFE00  }
0x1ea: {  	_ =	sfence.sel $0x180000  }
0x1eb: {  	[bflag:$0x0] =	sbarrier.arrive $0xFFFF  }
0x1ec: {  	p0 =	sne.s32 s7, $0x0;
	_ =	strace $0x90000047  }
0x1ed: {  	s0 =	sadd.s32 @!p0 $0x100000, s0;
	[bflag:$0x2] =	sbarrier.arrive $0xFFFF  }
0x1ee: {  	[sflag:s0] =	ssyncadd.tile.s32 @!p0 $0x1;
	_ =	shalt  }
.Lfunc_end2:
_tile_overlayer_lowered:
.L_overlay_start_2:
0x1ef: {  	(tag) =	ssettag $0x2  }
0x1f0: {  	s0 =	rddreg [dreg:$0x0];
	s2 =	stileid.u32  }
0x1f1: {  	s1 =	rddreg [dreg:$0x1];
	p0 =	sne.s32 s2, $0x0  }
0x1f2: {  	s3 =	rddreg [dreg:$0x2];
	[bflag:$0x3] =	sbarrier.arrive $0xFFFF;
	s2 =	simm.s32 @!p0 $0x1C02  }
0x1f3: {  	[timem:s3], [sflag:s2] =	dma.local @!p0 [hbm:s0], s1  }
0x1f4: {  	s0 =	simm.s32 @!p0 $0x2  }
0x1f5: {  	_ =	swait.ge @!p0 [sflag:s0], s1  }
0x1f6: {  	s1 =	ssub.s32 @!p0 $0x0, s1;
	[sflag:s0] =	ssyncset.done @!p0 $0x0  }
0x1f7: {  	[sflag:s0] =	ssyncadd.s32 @!p0 s1  }
0x1f8: {  	[bflag:$0x3] =	sbarrier.arrive $0xFFFF  }
0x1f9: {  	_ =	shalt  }

</sc_bundles>
